<compile_context>
chip_gen: v7x
topology: tpu7x:2x2x1
jax: 0.10.2.dev20260603
libtpu: 0.0.44.dev20260713+nightly
codegen_flags: <defaults>
</compile_context>

<pallas_src>
import functools

import jax
import jax.numpy as jnp
from jax import lax
from jax.experimental import pallas as pl
from jax.experimental.pallas import tpu as pltpu
from jax.experimental.pallas import tpu_sc as plsc

N = 10000
E = 320000
D_IN = 128
D_HID = 16
D_OUT = 16

NC = 2
NS = 16
NW = NC * NS
E_TILE = E // NW

G_CHUNK = 1000
T_G = E_TILE // G_CHUNK
B_IDX = 128
SUB_F = G_CHUNK // B_IDX
SUB_T = G_CHUNK - SUB_F * B_IDX

DEG_F = E_TILE // B_IDX
DEG_T = E_TILE - DEG_F * B_IDX

N_TAB = 10240
NP = N_TAB // 8
NPR = 1250


def _deg_body(ei_hbm, zeros_hbm, cnt_out, idx_v, ones_v, cnt_sh, sem):
    c = lax.axis_index("c")
    s = lax.axis_index("s")
    w = c * NS + s

    @pl.when(s == 0)
    def _():
        pltpu.sync_copy(zeros_hbm, cnt_sh)

    pltpu.sync_copy(ei_hbm.at[1].at[w], idx_v)
    for k in range(B_IDX // 16):
        ones_v[pl.ds(k * 16, 16)] = jnp.full((16,), 1.0, jnp.float32)
    plsc.subcore_barrier()

    def chunk(j, carry):
        off = pl.multiple_of(j * B_IDX, B_IDX)
        pltpu.async_copy(ones_v, cnt_sh.at[idx_v.at[pl.ds(off, B_IDX)]],
                         sem, add=True)
        return carry

    lax.fori_loop(0, DEG_F, chunk, 0)
    pltpu.async_copy(ones_v.at[pl.ds(0, DEG_T)],
                     cnt_sh.at[idx_v.at[pl.ds(DEG_F * B_IDX, DEG_T)]],
                     sem, add=True)

    def drain(j, carry):
        off = pl.multiple_of(j * B_IDX, B_IDX)
        pltpu.make_async_copy(ones_v,
                              cnt_sh.at[idx_v.at[pl.ds(off, B_IDX)]],
                              sem).wait()
        return carry

    lax.fori_loop(0, DEG_F, drain, 0)
    pltpu.make_async_copy(ones_v.at[pl.ds(0, DEG_T)],
                          cnt_sh.at[idx_v.at[pl.ds(DEG_F * B_IDX, DEG_T)]],
                          sem).wait()
    plsc.subcore_barrier()

    @pl.when(s == 0)
    def _():
        pltpu.sync_copy(cnt_sh, cnt_out.at[c])


def _msg_body(ei_hbm, z_hbm, zeros_hbm, acc_out,
              sidx_v, didx_v, rows_v, acc_sh, z_sh, gsem0, gsem1,
              ssem0, ssem1):
    c = lax.axis_index("c")
    s = lax.axis_index("s")
    w = c * NS + s

    @pl.when(s == 0)
    def _():
        pltpu.sync_copy(zeros_hbm, acc_sh)

    @pl.when(s == 1)
    def _():
        pltpu.sync_copy(z_hbm, z_sh)

    pltpu.sync_copy(ei_hbm.at[0].at[w], sidx_v)
    pltpu.sync_copy(ei_hbm.at[1].at[w], didx_v)
    plsc.subcore_barrier()

    gsems = (gsem0, gsem1)
    ssems = (ssem0, ssem1)
    pltpu.async_copy(z_sh.at[sidx_v.at[pl.ds(0, G_CHUNK)]], rows_v.at[0],
                     gsems[0])

    def chunk(g, carry):
        goff = pl.multiple_of(g * G_CHUNK, G_CHUNK)
        for b in range(2):
            @pl.when(lax.rem(g, 2) == b)
            def _():
                pltpu.make_async_copy(
                    z_sh.at[sidx_v.at[pl.ds(goff, G_CHUNK)]],
                    rows_v.at[b], gsems[b]).wait()

                @pl.when(g >= 1)
                def _():
                    pltpu.make_async_copy(
                        z_hbm.at[pl.ds(0, G_CHUNK)], rows_v.at[1 - b],
                        ssems[1 - b]).wait()

                @pl.when(g + 1 < T_G)
                def _():
                    pltpu.async_copy(
                        z_sh.at[sidx_v.at[pl.ds(goff + G_CHUNK, G_CHUNK)]],
                        rows_v.at[1 - b], gsems[1 - b])

                for k in range(SUB_F):
                    pltpu.async_copy(
                        rows_v.at[b].at[pl.ds(k * B_IDX, B_IDX)],
                        acc_sh.at[didx_v.at[pl.ds(goff + k * B_IDX, B_IDX)]],
                        ssems[b], add=True)
                pltpu.async_copy(
                    rows_v.at[b].at[pl.ds(SUB_F * B_IDX, SUB_T)],
                    acc_sh.at[didx_v.at[pl.ds(goff + SUB_F * B_IDX, SUB_T)]],
                    ssems[b], add=True)
        return carry

    lax.fori_loop(0, T_G, chunk, 0)
    last = (T_G - 1) % 2
    pltpu.make_async_copy(z_hbm.at[pl.ds(0, G_CHUNK)], rows_v.at[last],
                          ssems[last]).wait()
    plsc.subcore_barrier()

    @pl.when(s == 0)
    def _():
        pltpu.sync_copy(acc_sh, acc_out.at[c])


@functools.lru_cache(maxsize=None)
def _sc_kernels():
    mesh = plsc.VectorSubcoreMesh(core_axis_name="c", subcore_axis_name="s",
                                  num_cores=NC, num_subcores=NS)
    deg = pl.kernel(
        _deg_body,
        out_type=jax.ShapeDtypeStruct((NC, N_TAB), jnp.float32),
        mesh=mesh,
        scratch_types=[
            pltpu.VMEM((E_TILE,), jnp.int32),
            pltpu.VMEM((B_IDX,), jnp.float32),
            pltpu.VMEM_SHARED((N_TAB,), jnp.float32),
            pltpu.SemaphoreType.DMA,
        ],
    )
    msg = pl.kernel(
        _msg_body,
        out_type=jax.ShapeDtypeStruct((NC, N_TAB, D_HID), jnp.float32),
        mesh=mesh,
        compiler_params=pltpu.CompilerParams(use_tc_tiling_on_sc=False),
        scratch_types=[
            pltpu.VMEM((E_TILE,), jnp.int32),
            pltpu.VMEM((E_TILE,), jnp.int32),
            pltpu.VMEM((2, G_CHUNK, D_HID), jnp.float32),
            pltpu.VMEM_SHARED((N_TAB, D_HID), jnp.float32),
            pltpu.VMEM_SHARED((N_TAB, D_HID), jnp.float32),
            pltpu.SemaphoreType.DMA,
            pltpu.SemaphoreType.DMA,
            pltpu.SemaphoreType.DMA,
            pltpu.SemaphoreType.DMA,
        ],
    )
    return deg, msg


def _mm_body(x3_ref, w1_ref, cnt_ref, p_ref, z_ref, dinv_ref, d3_ref):
    cn = cnt_ref[0] + cnt_ref[1]
    for u in range(16):
        d3_ref[:, u, :] = jnp.dot(cn, p_ref[u],
                                  preferred_element_type=jnp.float32)
    dinv3 = lax.rsqrt(1.0 + d3_ref[...])
    dinv_ref[...] = dinv3
    dinv128 = dinv3.reshape(NP, 128)
    z_ref[pl.ds(NPR, NP - NPR), :] = jnp.zeros((NP - NPR, 128), jnp.float32)
    for g in range(8):
        y = jnp.dot(x3_ref[:, g, :], w1_ref[...],
                    preferred_element_type=jnp.float32)
        z_ref[pl.ds(0, NPR), pl.ds(g * 16, 16)] = (
            y * dinv128[0:NPR, g * 16:(g + 1) * 16])


def _mm_call(x3, w1, cnt128, p):
    return pl.pallas_call(
        _mm_body,
        grid=(1,),
        in_specs=[
            pl.BlockSpec((NPR, 8, D_IN), lambda i: (0, 0, 0)),
            pl.BlockSpec((D_IN, D_HID), lambda i: (0, 0)),
            pl.BlockSpec((NC, 80, 128), lambda i: (0, 0, 0)),
            pl.BlockSpec((16, 128, 128), lambda i: (0, 0, 0)),
        ],
        out_specs=[
            pl.BlockSpec((NP, 128), lambda i: (0, 0)),
            pl.BlockSpec((80, 16, 128), lambda i: (0, 0, 0)),
        ],
        out_shape=[
            jax.ShapeDtypeStruct((NP, 128), jnp.float32),
            jax.ShapeDtypeStruct((80, 16, 128), jnp.float32),
        ],
        scratch_shapes=[pltpu.VMEM((80, 16, 128), jnp.float32)],
    )(x3, w1, cnt128, p)


def _ep_body(acc_ref, z_ref, dinv_ref, b1_ref, w2bd_ref, b2_ref,
             onesbd_ref, out_ref):
    t = acc_ref[0] + acc_ref[1] + z_ref[...]
    h = dinv_ref[...] * t + b1_ref[...]
    h = jnp.maximum(h, 0.0)
    y = jnp.dot(h, w2bd_ref[...], preferred_element_type=jnp.float32)
    y = y + b2_ref[...]
    e = jnp.exp(y)
    ssum = jnp.dot(e, onesbd_ref[...], preferred_element_type=jnp.float32)
    out_ref[...] = y - jnp.log(ssum)


def _ep_call(acc128, z128, dinv128, b1t, w2bd, b2t, onesbd):
    return pl.pallas_call(
        _ep_body,
        grid=(1,),
        in_specs=[
            pl.BlockSpec((NC, NP, 128), lambda i: (0, 0, 0)),
            pl.BlockSpec((NP, 128), lambda i: (0, 0)),
            pl.BlockSpec((NP, 128), lambda i: (0, 0)),
            pl.BlockSpec((1, 128), lambda i: (0, 0)),
            pl.BlockSpec((128, 128), lambda i: (0, 0)),
            pl.BlockSpec((1, 128), lambda i: (0, 0)),
            pl.BlockSpec((128, 128), lambda i: (0, 0)),
        ],
        out_specs=pl.BlockSpec((NP, 128), lambda i: (0, 0)),
        out_shape=jax.ShapeDtypeStruct((NP, 128), jnp.float32),
    )(acc128, z128, dinv128, b1t, w2bd, b2t, onesbd)


def kernel(x, edge_index, W1, b1, W2, b2):
    zeros_n = jnp.zeros((N_TAB,), jnp.float32)
    zeros_nh = jnp.zeros((N_TAB, D_HID), jnp.float32)

    uu = jnp.arange(16, dtype=jnp.int32)[:, None, None]
    mm = jnp.arange(128, dtype=jnp.int32)[None, :, None]
    ll = jnp.arange(128, dtype=jnp.int32)[None, None, :]
    p = (mm == 8 * uu + ll // 16).astype(jnp.float32)

    eye8 = jnp.eye(8, dtype=jnp.float32)
    w2bd = jnp.kron(eye8, W2)
    onesbd = jnp.kron(eye8, jnp.ones((D_HID, D_OUT), jnp.float32))
    b1t = jnp.tile(b1, 8).reshape(1, 128)
    b2t = jnp.tile(b2, 8).reshape(1, 128)

    deg_kernel, msg_kernel = _sc_kernels()
    ei3 = edge_index.reshape(2, NW, E_TILE)
    cnt = deg_kernel(ei3, zeros_n)
    cnt128 = cnt.reshape(NC, 80, 128)

    x3 = x.reshape(NPR, 8, D_IN)
    z128, dinv3 = _mm_call(x3, W1, cnt128, p)

    z16 = z128.reshape(N_TAB, D_HID)
    acc = msg_kernel(ei3, z16, zeros_nh)

    acc128 = acc.reshape(NC, NP, 128)
    dinv128 = dinv3.reshape(NP, 128)
    out128 = _ep_call(acc128, z128, dinv128, b1t, w2bd, b2t, onesbd)
    return out128.reshape(N_TAB, D_HID)[:N]

# --- scband reference (transcript-rebuilt; emitter-appended) ---
"""Pipeline reference for scband-gcn-74242804678709 (READ-ONLY COPY).

The authoritative reference and input builder live on the scoring server;
editing this copy changes nothing except your own understanding.
"""

import jax, jax.numpy as jnp
import numpy as np

N = 10000
E = 320000
D_IN = 128
D_HID = 16
D_OUT = 16


def gcn_conv(x, edge_index, W, b):
    num_nodes = x.shape[0]
    src = edge_index[0]
    dst = edge_index[1]
    # add self loops (PyG GCNConv default)
    loops = jnp.arange(num_nodes, dtype=src.dtype)
    src = jnp.concatenate([src, loops])
    dst = jnp.concatenate([dst, loops])
    # linear transform first (in_ch > out_ch, same as PyG ordering)
    xw = x @ W
    # symmetric normalization D^{-1/2} (A+I) D^{-1/2}
    deg = jnp.zeros((num_nodes,), dtype=xw.dtype).at[dst].add(1.0)
    dinv = jnp.where(deg > 0, jax.lax.rsqrt(deg), 0.0)
    norm = dinv[src] * dinv[dst]
    msgs = xw[src] * norm[:, None]
    out = jax.ops.segment_sum(msgs, dst, num_segments=num_nodes)
    return out + b


def setup_inputs(seed: int = 0) -> dict:
    key = jax.random.key(seed)
    k1, k2, k3, k4, k5, k6 = jax.random.split(key, 6)
    x = jax.random.normal(k1, (N, D_IN), dtype=jnp.float32)
    edge_index = jax.random.randint(k2, (2, E), 0, N, dtype=jnp.int32)
    # GCNConv weight (glorot) + zero bias
    W1 = jax.random.normal(k3, (D_IN, D_HID), dtype=jnp.float32) * np.sqrt(2.0 / (D_IN + D_HID))
    b1 = jnp.zeros((D_HID,), dtype=jnp.float32)
    # output Linear
    W2 = jax.random.normal(k4, (D_HID, D_OUT), dtype=jnp.float32) * np.sqrt(2.0 / (D_HID + D_OUT))
    b2 = jnp.zeros((D_OUT,), dtype=jnp.float32)
    return {"x": x, "edge_index": edge_index, "W1": W1, "b1": b1, "W2": W2, "b2": b2}


def reference(x, edge_index, W1, b1, W2, b2):
    h = gcn_conv(x, edge_index, W1, b1)
    h = jax.nn.relu(h)
    y = h @ W2 + b2
    return jax.nn.log_softmax(y, axis=-1)

if __name__ == "__main__":
    import jax
    _d = setup_inputs()
    print(jax.jit(kernel)(*tuple(_d.values())))

</pallas_src>

<mosaic_0001>
#map = affine_map<(d0, d1) -> (0, 0, 0)>
#map1 = affine_map<(d0, d1) -> (0)>
#map2 = affine_map<(d0, d1) -> (0, 0)>
module attributes {stable_mosaic.version = 14 : i64} {
  func.func @_deg_body(%arg0: i32, %arg1: i32, %arg2: memref<2x32x10000xi32, #tpu.memory_space<hbm>>, %arg3: memref<10240xf32, #tpu.memory_space<hbm>>, %arg4: memref<2x10240xf32, #tpu.memory_space<hbm>>, %arg5: memref<10000xi32, #tpu.memory_space<vmem>>, %arg6: memref<128xf32, #tpu.memory_space<vmem>>, %arg7: memref<10240xf32, #tpu.memory_space<vmem_shared>>, %arg8: memref<!tpu.dma_semaphore, #tpu.memory_space<semaphore_mem>>) attributes {dimension_semantics = [#tpu.dimension_semantics<core_parallel>, #tpu.dimension_semantics<subcore_parallel>], iteration_bounds = array<i64: 2, 16>, scalar_prefetch = 0 : i64, scratch_operands = 4 : i64, tpu.core_type = #tpu.core_type<sc_vector_subcore>, window_params = [{transform_indices = #map}, {transform_indices = #map1}, {transform_indices = #map2}]} {
    %mul3A = arith.constant 16 : i32
    %mul3A_0 = arith.muli %arg0, %mul3A : i32
    %add3A = arith.addi %mul3A_0, %arg1 : i32
    %eq3A = arith.constant 0 : i32
    %eq3A_1 = arith.cmpi eq, %arg1, %eq3A : i32
    %convert_element_type3A = arith.extui %eq3A_1 : i1 to i32
    %cond3A = arith.constant 0 : i32
    %cond3A_2 = arith.cmpi ne, %convert_element_type3A, %cond3A : i32
    scf.if %cond3A_2 {
      "tpu.region"() ({
        %run_scoped3A_76 = tpu.sem_alloc : memref<!tpu.dma_semaphore, #tpu.memory_space<semaphore_mem>>
        tpu.enqueue_dma source(%arg3 : memref<10240xf32, #tpu.memory_space<hbm>>) target(%arg7 : memref<10240xf32, #tpu.memory_space<vmem_shared>>) target_semaphore(%run_scoped3A_76 : memref<!tpu.dma_semaphore, #tpu.memory_space<semaphore_mem>>)
        tpu.wait_dma2 semaphore(%run_scoped3A_76 : memref<!tpu.dma_semaphore, #tpu.memory_space<semaphore_mem>>) src(%arg3 : memref<10240xf32, #tpu.memory_space<hbm>>) dst(%arg7 : memref<10240xf32, #tpu.memory_space<vmem_shared>>)
        tpu.yield
      }) : () -> ()
    } else {
    }
    %run_scoped3A = arith.constant 1 : i32
    "tpu.region"() ({
      %run_scoped3A_76 = tpu.sem_alloc : memref<!tpu.dma_semaphore, #tpu.memory_space<semaphore_mem>>
      %dma_start3A_77 = arith.constant 0 : i32
      %dma_start3A_78 = arith.constant 0 : i32
      %dma_start3A_79 = tpu.memref_slice %arg2[%run_scoped3A, %dma_start3A_77, %dma_start3A_78] : memref<2x32x10000xi32, #tpu.memory_space<hbm>> -> memref<1x32x10000xi32, #tpu.memory_space<hbm>>
      %dma_start3A_80 = tpu.memref_squeeze %dma_start3A_79 : memref<1x32x10000xi32, #tpu.memory_space<hbm>> -> memref<32x10000xi32, #tpu.memory_space<hbm>>
      %dma_start3A_81 = arith.constant 0 : i32
      %dma_start3A_82 = tpu.memref_slice %dma_start3A_80[%add3A, %dma_start3A_81] : memref<32x10000xi32, #tpu.memory_space<hbm>> -> memref<1x10000xi32, #tpu.memory_space<hbm>>
      %dma_start3A_83 = tpu.memref_squeeze %dma_start3A_82 : memref<1x10000xi32, #tpu.memory_space<hbm>> -> memref<10000xi32, #tpu.memory_space<hbm>>
      %dma_start3A_84 = arith.constant 0 : i32
      %dma_start3A_85 = arith.constant 0 : i32
      %dma_start3A_86 = tpu.memref_slice %arg2[%run_scoped3A, %dma_start3A_84, %dma_start3A_85] : memref<2x32x10000xi32, #tpu.memory_space<hbm>> -> memref<1x32x10000xi32, #tpu.memory_space<hbm>>
      %dma_start3A_87 = tpu.memref_squeeze %dma_start3A_86 : memref<1x32x10000xi32, #tpu.memory_space<hbm>> -> memref<32x10000xi32, #tpu.memory_space<hbm>>
      %dma_start3A_88 = arith.constant 0 : i32
      %dma_start3A_89 = tpu.memref_slice %dma_start3A_87[%add3A, %dma_start3A_88] : memref<32x10000xi32, #tpu.memory_space<hbm>> -> memref<1x10000xi32, #tpu.memory_space<hbm>>
      %dma_start3A_90 = tpu.memref_squeeze %dma_start3A_89 : memref<1x10000xi32, #tpu.memory_space<hbm>> -> memref<10000xi32, #tpu.memory_space<hbm>>
      tpu.enqueue_dma source(%dma_start3A_90 : memref<10000xi32, #tpu.memory_space<hbm>>) target(%arg5 : memref<10000xi32, #tpu.memory_space<vmem>>) target_semaphore(%run_scoped3A_76 : memref<!tpu.dma_semaphore, #tpu.memory_space<semaphore_mem>>)
      %dma_wait3A_91 = arith.constant 0 : i32
      %dma_wait3A_92 = arith.constant 0 : i32
      %dma_wait3A_93 = tpu.memref_slice %arg2[%run_scoped3A, %dma_wait3A_91, %dma_wait3A_92] : memref<2x32x10000xi32, #tpu.memory_space<hbm>> -> memref<1x32x10000xi32, #tpu.memory_space<hbm>>
      %dma_wait3A_94 = tpu.memref_squeeze %dma_wait3A_93 : memref<1x32x10000xi32, #tpu.memory_space<hbm>> -> memref<32x10000xi32, #tpu.memory_space<hbm>>
      %dma_wait3A_95 = arith.constant 0 : i32
      %dma_wait3A_96 = tpu.memref_slice %dma_wait3A_94[%add3A, %dma_wait3A_95] : memref<32x10000xi32, #tpu.memory_space<hbm>> -> memref<1x10000xi32, #tpu.memory_space<hbm>>
      %dma_wait3A_97 = tpu.memref_squeeze %dma_wait3A_96 : memref<1x10000xi32, #tpu.memory_space<hbm>> -> memref<10000xi32, #tpu.memory_space<hbm>>
      %dma_wait3A_98 = arith.constant 0 : i32
      %dma_wait3A_99 = arith.constant 0 : i32
      %dma_wait3A_100 = tpu.memref_slice %arg2[%run_scoped3A, %dma_wait3A_98, %dma_wait3A_99] : memref<2x32x10000xi32, #tpu.memory_space<hbm>> -> memref<1x32x10000xi32, #tpu.memory_space<hbm>>
      %dma_wait3A_101 = tpu.memref_squeeze %dma_wait3A_100 : memref<1x32x10000xi32, #tpu.memory_space<hbm>> -> memref<32x10000xi32, #tpu.memory_space<hbm>>
      %dma_wait3A_102 = arith.constant 0 : i32
      %dma_wait3A_103 = tpu.memref_slice %dma_wait3A_101[%add3A, %dma_wait3A_102] : memref<32x10000xi32, #tpu.memory_space<hbm>> -> memref<1x10000xi32, #tpu.memory_space<hbm>>
      %dma_wait3A_104 = tpu.memref_squeeze %dma_wait3A_103 : memref<1x10000xi32, #tpu.memory_space<hbm>> -> memref<10000xi32, #tpu.memory_space<hbm>>
      tpu.wait_dma2 semaphore(%run_scoped3A_76 : memref<!tpu.dma_semaphore, #tpu.memory_space<semaphore_mem>>) src(%dma_wait3A_104 : memref<10000xi32, #tpu.memory_space<hbm>>) dst(%arg5 : memref<10000xi32, #tpu.memory_space<vmem>>)
      tpu.yield
    }) : () -> ()
    %broadcast_in_dim3A = arith.constant 1.000000e+00 : f32
    %broadcast_in_dim3A_3 = vector.broadcast %broadcast_in_dim3A : f32 to vector<16xf32>
    %swap3A = arith.constant 0 : index
    %swap3A_4 = tpu.vector_load %arg6[%swap3A] {strides = array<i32>} : memref<128xf32, #tpu.memory_space<vmem>>, vector<16xf32>,
    %swap3A_5 = vector.shape_cast %swap3A_4 : vector<16xf32> to vector<16xf32>
    %swap3A_6 = vector.shape_cast %broadcast_in_dim3A_3 : vector<16xf32> to vector<16xf32>
    tpu.vector_store %arg6[%swap3A], %swap3A_6 {strides = array<i32>} : memref<128xf32, #tpu.memory_space<vmem>>, vector<16xf32>,
    %broadcast_in_dim3A_7 = arith.constant 1.000000e+00 : f32
    %broadcast_in_dim3A_8 = vector.broadcast %broadcast_in_dim3A_7 : f32 to vector<16xf32>
    %swap3A_9 = arith.constant 16 : index
    %swap3A_10 = tpu.vector_load %arg6[%swap3A_9] {strides = array<i32>} : memref<128xf32, #tpu.memory_space<vmem>>, vector<16xf32>,
    %swap3A_11 = vector.shape_cast %swap3A_10 : vector<16xf32> to vector<16xf32>
    %swap3A_12 = vector.shape_cast %broadcast_in_dim3A_8 : vector<16xf32> to vector<16xf32>
    tpu.vector_store %arg6[%swap3A_9], %swap3A_12 {strides = array<i32>} : memref<128xf32, #tpu.memory_space<vmem>>, vector<16xf32>,
    %broadcast_in_dim3A_13 = arith.constant 1.000000e+00 : f32
    %broadcast_in_dim3A_14 = vector.broadcast %broadcast_in_dim3A_13 : f32 to vector<16xf32>
    %swap3A_15 = arith.constant 32 : index
    %swap3A_16 = tpu.vector_load %arg6[%swap3A_15] {strides = array<i32>} : memref<128xf32, #tpu.memory_space<vmem>>, vector<16xf32>,
    %swap3A_17 = vector.shape_cast %swap3A_16 : vector<16xf32> to vector<16xf32>
    %swap3A_18 = vector.shape_cast %broadcast_in_dim3A_14 : vector<16xf32> to vector<16xf32>
    tpu.vector_store %arg6[%swap3A_15], %swap3A_18 {strides = array<i32>} : memref<128xf32, #tpu.memory_space<vmem>>, vector<16xf32>,
    %broadcast_in_dim3A_19 = arith.constant 1.000000e+00 : f32
    %broadcast_in_dim3A_20 = vector.broadcast %broadcast_in_dim3A_19 : f32 to vector<16xf32>
    %swap3A_21 = arith.constant 48 : index
    %swap3A_22 = tpu.vector_load %arg6[%swap3A_21] {strides = array<i32>} : memref<128xf32, #tpu.memory_space<vmem>>, vector<16xf32>,
    %swap3A_23 = vector.shape_cast %swap3A_22 : vector<16xf32> to vector<16xf32>
    %swap3A_24 = vector.shape_cast %broadcast_in_dim3A_20 : vector<16xf32> to vector<16xf32>
    tpu.vector_store %arg6[%swap3A_21], %swap3A_24 {strides = array<i32>} : memref<128xf32, #tpu.memory_space<vmem>>, vector<16xf32>,
    %broadcast_in_dim3A_25 = arith.constant 1.000000e+00 : f32
    %broadcast_in_dim3A_26 = vector.broadcast %broadcast_in_dim3A_25 : f32 to vector<16xf32>
    %swap3A_27 = arith.constant 64 : index
    %swap3A_28 = tpu.vector_load %arg6[%swap3A_27] {strides = array<i32>} : memref<128xf32, #tpu.memory_space<vmem>>, vector<16xf32>,
    %swap3A_29 = vector.shape_cast %swap3A_28 : vector<16xf32> to vector<16xf32>
    %swap3A_30 = vector.shape_cast %broadcast_in_dim3A_26 : vector<16xf32> to vector<16xf32>
    tpu.vector_store %arg6[%swap3A_27], %swap3A_30 {strides = array<i32>} : memref<128xf32, #tpu.memory_space<vmem>>, vector<16xf32>,
    %broadcast_in_dim3A_31 = arith.constant 1.000000e+00 : f32
    %broadcast_in_dim3A_32 = vector.broadcast %broadcast_in_dim3A_31 : f32 to vector<16xf32>
    %swap3A_33 = arith.constant 80 : index
    %swap3A_34 = tpu.vector_load %arg6[%swap3A_33] {strides = array<i32>} : memref<128xf32, #tpu.memory_space<vmem>>, vector<16xf32>,
    %swap3A_35 = vector.shape_cast %swap3A_34 : vector<16xf32> to vector<16xf32>
    %swap3A_36 = vector.shape_cast %broadcast_in_dim3A_32 : vector<16xf32> to vector<16xf32>
    tpu.vector_store %arg6[%swap3A_33], %swap3A_36 {strides = array<i32>} : memref<128xf32, #tpu.memory_space<vmem>>, vector<16xf32>,
    %broadcast_in_dim3A_37 = arith.constant 1.000000e+00 : f32
    %broadcast_in_dim3A_38 = vector.broadcast %broadcast_in_dim3A_37 : f32 to vector<16xf32>
    %swap3A_39 = arith.constant 96 : index
    %swap3A_40 = tpu.vector_load %arg6[%swap3A_39] {strides = array<i32>} : memref<128xf32, #tpu.memory_space<vmem>>, vector<16xf32>,
    %swap3A_41 = vector.shape_cast %swap3A_40 : vector<16xf32> to vector<16xf32>
    %swap3A_42 = vector.shape_cast %broadcast_in_dim3A_38 : vector<16xf32> to vector<16xf32>
    tpu.vector_store %arg6[%swap3A_39], %swap3A_42 {strides = array<i32>} : memref<128xf32, #tpu.memory_space<vmem>>, vector<16xf32>,
    %broadcast_in_dim3A_43 = arith.constant 1.000000e+00 : f32
    %broadcast_in_dim3A_44 = vector.broadcast %broadcast_in_dim3A_43 : f32 to vector<16xf32>
    %swap3A_45 = arith.constant 112 : index
    %swap3A_46 = tpu.vector_load %arg6[%swap3A_45] {strides = array<i32>} : memref<128xf32, #tpu.memory_space<vmem>>, vector<16xf32>,
    %swap3A_47 = vector.shape_cast %swap3A_46 : vector<16xf32> to vector<16xf32>
    %swap3A_48 = vector.shape_cast %broadcast_in_dim3A_44 : vector<16xf32> to vector<16xf32>
    tpu.vector_store %arg6[%swap3A_45], %swap3A_48 {strides = array<i32>} : memref<128xf32, #tpu.memory_space<vmem>>, vector<16xf32>,
    %barrier3A = arith.constant 0 : index
    tpu.barrier barrier_id(%barrier3A)
    %scan3A = arith.constant 0 : i32
    %scan3A_49 = arith.constant 0 : i32
    %scan3A_50 = arith.constant 78 : i32
    %scan3A_51 = arith.addi %scan3A_49, %scan3A_50 : i32
    %scan3A_52 = arith.constant 1 : i32
    scf.for %scan3A_76 = %scan3A_49 to %scan3A_51 step %scan3A_52  : i32 {
      %mul3A_77 = arith.constant 128 : i32
      %mul3A_78 = arith.muli %scan3A_76, %mul3A_77 : i32
      %multiple_of3A = tpu.assume_multiple %mul3A_78, 128 : i32
      %dma_start3A_79 = tpu.memref_slice %arg5[%multiple_of3A] : memref<10000xi32, #tpu.memory_space<vmem>> -> memref<128xi32, #tpu.memory_space<vmem>>
      %dma_start3A_80 = arith.constant 0 : i32
      %dma_start3A_81 = tpu.memref_slice %arg7[%dma_start3A_80] : memref<10240xf32, #tpu.memory_space<vmem_shared>> -> memref<10240xf32, #tpu.memory_space<vmem_shared>>
      tpu.enqueue_indirect_dma source(%arg6 : memref<128xf32, #tpu.memory_space<vmem>>) target(%dma_start3A_81 : memref<10240xf32, #tpu.memory_space<vmem_shared>>) offsets(%dma_start3A_79 : memref<128xi32, #tpu.memory_space<vmem>>) semaphore(%arg8 : memref<!tpu.dma_semaphore, #tpu.memory_space<semaphore_mem>>) {add = true}
    }
    %scan3A_53 = arith.constant 78 : i32
    %dma_start3A = arith.constant 0 : i32
    %dma_start3A_54 = tpu.memref_slice %arg6[%dma_start3A] : memref<128xf32, #tpu.memory_space<vmem>> -> memref<16xf32, #tpu.memory_space<vmem>>
    %dma_start3A_55 = arith.constant 9984 : i32
    %dma_start3A_56 = tpu.memref_slice %arg5[%dma_start3A_55] : memref<10000xi32, #tpu.memory_space<vmem>> -> memref<16xi32, #tpu.memory_space<vmem>>
    %dma_start3A_57 = arith.constant 0 : i32
    %dma_start3A_58 = tpu.memref_slice %arg7[%dma_start3A_57] : memref<10240xf32, #tpu.memory_space<vmem_shared>> -> memref<10240xf32, #tpu.memory_space<vmem_shared>>
    tpu.enqueue_indirect_dma source(%dma_start3A_54 : memref<16xf32, #tpu.memory_space<vmem>>) target(%dma_start3A_58 : memref<10240xf32, #tpu.memory_space<vmem_shared>>) offsets(%dma_start3A_56 : memref<16xi32, #tpu.memory_space<vmem>>) semaphore(%arg8 : memref<!tpu.dma_semaphore, #tpu.memory_space<semaphore_mem>>) {add = true}
    %scan3A_59 = arith.constant 0 : i32
    %scan3A_60 = arith.constant 0 : i32
    %scan3A_61 = arith.constant 78 : i32
    %scan3A_62 = arith.addi %scan3A_60, %scan3A_61 : i32
    %scan3A_63 = arith.constant 1 : i32
    scf.for %scan3A_76 = %scan3A_60 to %scan3A_62 step %scan3A_63  : i32 {
      %mul3A_77 = arith.constant 128 : i32
      %mul3A_78 = arith.muli %scan3A_76, %mul3A_77 : i32
      %multiple_of3A = tpu.assume_multiple %mul3A_78, 128 : i32
      %dma_wait3A_79 = tpu.memref_slice %arg5[%multiple_of3A] : memref<10000xi32, #tpu.memory_space<vmem>> -> memref<128xi32, #tpu.memory_space<vmem>>
      %dma_wait3A_80 = arith.constant 0 : i32
      %dma_wait3A_81 = tpu.memref_slice %arg7[%dma_wait3A_80] : memref<10240xf32, #tpu.memory_space<vmem_shared>> -> memref<10240xf32, #tpu.memory_space<vmem_shared>>
      tpu.wait_indirect_dma semaphore(%arg8 : memref<!tpu.dma_semaphore, #tpu.memory_space<semaphore_mem>>) src(%arg6 : memref<128xf32, #tpu.memory_space<vmem>>) dst(%dma_wait3A_81 : memref<10240xf32, #tpu.memory_space<vmem_shared>>)
    }
    %scan3A_64 = arith.constant 78 : i32
    %dma_wait3A = arith.constant 0 : i32
    %dma_wait3A_65 = tpu.memref_slice %arg6[%dma_wait3A] : memref<128xf32, #tpu.memory_space<vmem>> -> memref<16xf32, #tpu.memory_space<vmem>>
    %dma_wait3A_66 = arith.constant 9984 : i32
    %dma_wait3A_67 = tpu.memref_slice %arg5[%dma_wait3A_66] : memref<10000xi32, #tpu.memory_space<vmem>> -> memref<16xi32, #tpu.memory_space<vmem>>
    %dma_wait3A_68 = arith.constant 0 : i32
    %dma_wait3A_69 = tpu.memref_slice %arg7[%dma_wait3A_68] : memref<10240xf32, #tpu.memory_space<vmem_shared>> -> memref<10240xf32, #tpu.memory_space<vmem_shared>>
    tpu.wait_indirect_dma semaphore(%arg8 : memref<!tpu.dma_semaphore, #tpu.memory_space<semaphore_mem>>) src(%dma_wait3A_65 : memref<16xf32, #tpu.memory_space<vmem>>) dst(%dma_wait3A_69 : memref<10240xf32, #tpu.memory_space<vmem_shared>>)
    %barrier3A_70 = arith.constant 0 : index
    tpu.barrier barrier_id(%barrier3A_70)
    %eq3A_71 = arith.constant 0 : i32
    %eq3A_72 = arith.cmpi eq, %arg1, %eq3A_71 : i32
    %convert_element_type3A_73 = arith.extui %eq3A_72 : i1 to i32
    %cond3A_74 = arith.constant 0 : i32
    %cond3A_75 = arith.cmpi ne, %convert_element_type3A_73, %cond3A_74 : i32
    scf.if %cond3A_75 {
      "tpu.region"() ({
        %run_scoped3A_76 = tpu.sem_alloc : memref<!tpu.dma_semaphore, #tpu.memory_space<semaphore_mem>>
        %dma_start3A_77 = arith.constant 0 : i32
        %dma_start3A_78 = tpu.memref_slice %arg4[%arg0, %dma_start3A_77] : memref<2x10240xf32, #tpu.memory_space<hbm>> -> memref<1x10240xf32, #tpu.memory_space<hbm>>
        %dma_start3A_79 = tpu.memref_squeeze %dma_start3A_78 : memref<1x10240xf32, #tpu.memory_space<hbm>> -> memref<10240xf32, #tpu.memory_space<hbm>>
        tpu.enqueue_dma source(%arg7 : memref<10240xf32, #tpu.memory_space<vmem_shared>>) target(%dma_start3A_79 : memref<10240xf32, #tpu.memory_space<hbm>>) target_semaphore(%run_scoped3A_76 : memref<!tpu.dma_semaphore, #tpu.memory_space<semaphore_mem>>)
        %dma_wait3A_80 = arith.constant 0 : i32
        %dma_wait3A_81 = tpu.memref_slice %arg4[%arg0, %dma_wait3A_80] : memref<2x10240xf32, #tpu.memory_space<hbm>> -> memref<1x10240xf32, #tpu.memory_space<hbm>>
        %dma_wait3A_82 = tpu.memref_squeeze %dma_wait3A_81 : memref<1x10240xf32, #tpu.memory_space<hbm>> -> memref<10240xf32, #tpu.memory_space<hbm>>
        tpu.wait_dma2 semaphore(%run_scoped3A_76 : memref<!tpu.dma_semaphore, #tpu.memory_space<semaphore_mem>>) src(%arg7 : memref<10240xf32, #tpu.memory_space<vmem_shared>>) dst(%dma_wait3A_82 : memref<10240xf32, #tpu.memory_space<hbm>>)
        tpu.yield
      }) : () -> ()
    } else {
    }
    return
  }
}

#map = affine_map<(d0, d1) -> (0, 0, 0)>
#map1 = affine_map<(d0, d1) -> (0, 0)>
module attributes {stable_mosaic.version = 14 : i64} {
  func.func @_msg_body(%arg0: i32, %arg1: i32, %arg2: memref<2x32x10000xi32, #tpu.memory_space<hbm>>, %arg3: memref<10240x16xf32, #tpu.memory_space<hbm>>, %arg4: memref<10240x16xf32, #tpu.memory_space<hbm>>, %arg5: memref<2x10240x16xf32, #tpu.memory_space<hbm>>, %arg6: memref<10000xi32, #tpu.memory_space<vmem>>, %arg7: memref<10000xi32, #tpu.memory_space<vmem>>, %arg8: memref<2x1000x16xf32, #tpu.memory_space<vmem>>, %arg9: memref<10240x16xf32, #tpu.memory_space<vmem_shared>>, %arg10: memref<10240x16xf32, #tpu.memory_space<vmem_shared>>, %arg11: memref<!tpu.dma_semaphore, #tpu.memory_space<semaphore_mem>>, %arg12: memref<!tpu.dma_semaphore, #tpu.memory_space<semaphore_mem>>, %arg13: memref<!tpu.dma_semaphore, #tpu.memory_space<semaphore_mem>>, %arg14: memref<!tpu.dma_semaphore, #tpu.memory_space<semaphore_mem>>) attributes {dimension_semantics = [#tpu.dimension_semantics<core_parallel>, #tpu.dimension_semantics<subcore_parallel>], iteration_bounds = array<i64: 2, 16>, scalar_prefetch = 0 : i64, scratch_operands = 9 : i64, tpu.core_type = #tpu.core_type<sc_vector_subcore>, window_params = [{transform_indices = #map}, {transform_indices = #map1}, {transform_indices = #map1}, {transform_indices = #map}]} {
    %mul3A = arith.constant 16 : i32
    %mul3A_0 = arith.muli %arg0, %mul3A : i32
    %add3A = arith.addi %mul3A_0, %arg1 : i32
    %eq3A = arith.constant 0 : i32
    %eq3A_1 = arith.cmpi eq, %arg1, %eq3A : i32
    %convert_element_type3A = arith.extui %eq3A_1 : i1 to i32
    %cond3A = arith.constant 0 : i32
    %cond3A_2 = arith.cmpi ne, %convert_element_type3A, %cond3A : i32
    scf.if %cond3A_2 {
      "tpu.region"() ({
        %run_scoped3A_43 = tpu.sem_alloc : memref<!tpu.dma_semaphore, #tpu.memory_space<semaphore_mem>>
        tpu.enqueue_dma source(%arg4 : memref<10240x16xf32, #tpu.memory_space<hbm>>) target(%arg9 : memref<10240x16xf32, #tpu.memory_space<vmem_shared>>) target_semaphore(%run_scoped3A_43 : memref<!tpu.dma_semaphore, #tpu.memory_space<semaphore_mem>>)
        tpu.wait_dma2 semaphore(%run_scoped3A_43 : memref<!tpu.dma_semaphore, #tpu.memory_space<semaphore_mem>>) src(%arg4 : memref<10240x16xf32, #tpu.memory_space<hbm>>) dst(%arg9 : memref<10240x16xf32, #tpu.memory_space<vmem_shared>>)
        tpu.yield
      }) : () -> ()
    } else {
    }
    %eq3A_3 = arith.constant 1 : i32
    %eq3A_4 = arith.cmpi eq, %arg1, %eq3A_3 : i32
    %convert_element_type3A_5 = arith.extui %eq3A_4 : i1 to i32
    %cond3A_6 = arith.constant 0 : i32
    %cond3A_7 = arith.cmpi ne, %convert_element_type3A_5, %cond3A_6 : i32
    scf.if %cond3A_7 {
      "tpu.region"() ({
        %run_scoped3A_43 = tpu.sem_alloc : memref<!tpu.dma_semaphore, #tpu.memory_space<semaphore_mem>>
        tpu.enqueue_dma source(%arg3 : memref<10240x16xf32, #tpu.memory_space<hbm>>) target(%arg10 : memref<10240x16xf32, #tpu.memory_space<vmem_shared>>) target_semaphore(%run_scoped3A_43 : memref<!tpu.dma_semaphore, #tpu.memory_space<semaphore_mem>>)
        tpu.wait_dma2 semaphore(%run_scoped3A_43 : memref<!tpu.dma_semaphore, #tpu.memory_space<semaphore_mem>>) src(%arg3 : memref<10240x16xf32, #tpu.memory_space<hbm>>) dst(%arg10 : memref<10240x16xf32, #tpu.memory_space<vmem_shared>>)
        tpu.yield
      }) : () -> ()
    } else {
    }
    %run_scoped3A = arith.constant 0 : i32
    "tpu.region"() ({
      %run_scoped3A_43 = tpu.sem_alloc : memref<!tpu.dma_semaphore, #tpu.memory_space<semaphore_mem>>
      %dma_start3A_44 = arith.constant 0 : i32
      %dma_start3A_45 = arith.constant 0 : i32
      %dma_start3A_46 = tpu.memref_slice %arg2[%run_scoped3A, %dma_start3A_44, %dma_start3A_45] : memref<2x32x10000xi32, #tpu.memory_space<hbm>> -> memref<1x32x10000xi32, #tpu.memory_space<hbm>>
      %dma_start3A_47 = tpu.memref_squeeze %dma_start3A_46 : memref<1x32x10000xi32, #tpu.memory_space<hbm>> -> memref<32x10000xi32, #tpu.memory_space<hbm>>
      %dma_start3A_48 = arith.constant 0 : i32
      %dma_start3A_49 = tpu.memref_slice %dma_start3A_47[%add3A, %dma_start3A_48] : memref<32x10000xi32, #tpu.memory_space<hbm>> -> memref<1x10000xi32, #tpu.memory_space<hbm>>
      %dma_start3A_50 = tpu.memref_squeeze %dma_start3A_49 : memref<1x10000xi32, #tpu.memory_space<hbm>> -> memref<10000xi32, #tpu.memory_space<hbm>>
      %dma_start3A_51 = arith.constant 0 : i32
      %dma_start3A_52 = arith.constant 0 : i32
      %dma_start3A_53 = tpu.memref_slice %arg2[%run_scoped3A, %dma_start3A_51, %dma_start3A_52] : memref<2x32x10000xi32, #tpu.memory_space<hbm>> -> memref<1x32x10000xi32, #tpu.memory_space<hbm>>
      %dma_start3A_54 = tpu.memref_squeeze %dma_start3A_53 : memref<1x32x10000xi32, #tpu.memory_space<hbm>> -> memref<32x10000xi32, #tpu.memory_space<hbm>>
      %dma_start3A_55 = arith.constant 0 : i32
      %dma_start3A_56 = tpu.memref_slice %dma_start3A_54[%add3A, %dma_start3A_55] : memref<32x10000xi32, #tpu.memory_space<hbm>> -> memref<1x10000xi32, #tpu.memory_space<hbm>>
      %dma_start3A_57 = tpu.memref_squeeze %dma_start3A_56 : memref<1x10000xi32, #tpu.memory_space<hbm>> -> memref<10000xi32, #tpu.memory_space<hbm>>
      tpu.enqueue_dma source(%dma_start3A_57 : memref<10000xi32, #tpu.memory_space<hbm>>) target(%arg6 : memref<10000xi32, #tpu.memory_space<vmem>>) target_semaphore(%run_scoped3A_43 : memref<!tpu.dma_semaphore, #tpu.memory_space<semaphore_mem>>)
      %dma_wait3A_58 = arith.constant 0 : i32
      %dma_wait3A_59 = arith.constant 0 : i32
      %dma_wait3A_60 = tpu.memref_slice %arg2[%run_scoped3A, %dma_wait3A_58, %dma_wait3A_59] : memref<2x32x10000xi32, #tpu.memory_space<hbm>> -> memref<1x32x10000xi32, #tpu.memory_space<hbm>>
      %dma_wait3A_61 = tpu.memref_squeeze %dma_wait3A_60 : memref<1x32x10000xi32, #tpu.memory_space<hbm>> -> memref<32x10000xi32, #tpu.memory_space<hbm>>
      %dma_wait3A_62 = arith.constant 0 : i32
      %dma_wait3A_63 = tpu.memref_slice %dma_wait3A_61[%add3A, %dma_wait3A_62] : memref<32x10000xi32, #tpu.memory_space<hbm>> -> memref<1x10000xi32, #tpu.memory_space<hbm>>
      %dma_wait3A_64 = tpu.memref_squeeze %dma_wait3A_63 : memref<1x10000xi32, #tpu.memory_space<hbm>> -> memref<10000xi32, #tpu.memory_space<hbm>>
      %dma_wait3A_65 = arith.constant 0 : i32
      %dma_wait3A_66 = arith.constant 0 : i32
      %dma_wait3A_67 = tpu.memref_slice %arg2[%run_scoped3A, %dma_wait3A_65, %dma_wait3A_66] : memref<2x32x10000xi32, #tpu.memory_space<hbm>> -> memref<1x32x10000xi32, #tpu.memory_space<hbm>>
      %dma_wait3A_68 = tpu.memref_squeeze %dma_wait3A_67 : memref<1x32x10000xi32, #tpu.memory_space<hbm>> -> memref<32x10000xi32, #tpu.memory_space<hbm>>
      %dma_wait3A_69 = arith.constant 0 : i32
      %dma_wait3A_70 = tpu.memref_slice %dma_wait3A_68[%add3A, %dma_wait3A_69] : memref<32x10000xi32, #tpu.memory_space<hbm>> -> memref<1x10000xi32, #tpu.memory_space<hbm>>
      %dma_wait3A_71 = tpu.memref_squeeze %dma_wait3A_70 : memref<1x10000xi32, #tpu.memory_space<hbm>> -> memref<10000xi32, #tpu.memory_space<hbm>>
      tpu.wait_dma2 semaphore(%run_scoped3A_43 : memref<!tpu.dma_semaphore, #tpu.memory_space<semaphore_mem>>) src(%dma_wait3A_71 : memref<10000xi32, #tpu.memory_space<hbm>>) dst(%arg6 : memref<10000xi32, #tpu.memory_space<vmem>>)
      tpu.yield
    }) : () -> ()
    %run_scoped3A_8 = arith.constant 1 : i32
    "tpu.region"() ({
      %run_scoped3A_43 = tpu.sem_alloc : memref<!tpu.dma_semaphore, #tpu.memory_space<semaphore_mem>>
      %dma_start3A_44 = arith.constant 0 : i32
      %dma_start3A_45 = arith.constant 0 : i32
      %dma_start3A_46 = tpu.memref_slice %arg2[%run_scoped3A_8, %dma_start3A_44, %dma_start3A_45] : memref<2x32x10000xi32, #tpu.memory_space<hbm>> -> memref<1x32x10000xi32, #tpu.memory_space<hbm>>
      %dma_start3A_47 = tpu.memref_squeeze %dma_start3A_46 : memref<1x32x10000xi32, #tpu.memory_space<hbm>> -> memref<32x10000xi32, #tpu.memory_space<hbm>>
      %dma_start3A_48 = arith.constant 0 : i32
      %dma_start3A_49 = tpu.memref_slice %dma_start3A_47[%add3A, %dma_start3A_48] : memref<32x10000xi32, #tpu.memory_space<hbm>> -> memref<1x10000xi32, #tpu.memory_space<hbm>>
      %dma_start3A_50 = tpu.memref_squeeze %dma_start3A_49 : memref<1x10000xi32, #tpu.memory_space<hbm>> -> memref<10000xi32, #tpu.memory_space<hbm>>
      %dma_start3A_51 = arith.constant 0 : i32
      %dma_start3A_52 = arith.constant 0 : i32
      %dma_start3A_53 = tpu.memref_slice %arg2[%run_scoped3A_8, %dma_start3A_51, %dma_start3A_52] : memref<2x32x10000xi32, #tpu.memory_space<hbm>> -> memref<1x32x10000xi32, #tpu.memory_space<hbm>>
      %dma_start3A_54 = tpu.memref_squeeze %dma_start3A_53 : memref<1x32x10000xi32, #tpu.memory_space<hbm>> -> memref<32x10000xi32, #tpu.memory_space<hbm>>
      %dma_start3A_55 = arith.constant 0 : i32
      %dma_start3A_56 = tpu.memref_slice %dma_start3A_54[%add3A, %dma_start3A_55] : memref<32x10000xi32, #tpu.memory_space<hbm>> -> memref<1x10000xi32, #tpu.memory_space<hbm>>
      %dma_start3A_57 = tpu.memref_squeeze %dma_start3A_56 : memref<1x10000xi32, #tpu.memory_space<hbm>> -> memref<10000xi32, #tpu.memory_space<hbm>>
      tpu.enqueue_dma source(%dma_start3A_57 : memref<10000xi32, #tpu.memory_space<hbm>>) target(%arg7 : memref<10000xi32, #tpu.memory_space<vmem>>) target_semaphore(%run_scoped3A_43 : memref<!tpu.dma_semaphore, #tpu.memory_space<semaphore_mem>>)
      %dma_wait3A_58 = arith.constant 0 : i32
      %dma_wait3A_59 = arith.constant 0 : i32
      %dma_wait3A_60 = tpu.memref_slice %arg2[%run_scoped3A_8, %dma_wait3A_58, %dma_wait3A_59] : memref<2x32x10000xi32, #tpu.memory_space<hbm>> -> memref<1x32x10000xi32, #tpu.memory_space<hbm>>
      %dma_wait3A_61 = tpu.memref_squeeze %dma_wait3A_60 : memref<1x32x10000xi32, #tpu.memory_space<hbm>> -> memref<32x10000xi32, #tpu.memory_space<hbm>>
      %dma_wait3A_62 = arith.constant 0 : i32
      %dma_wait3A_63 = tpu.memref_slice %dma_wait3A_61[%add3A, %dma_wait3A_62] : memref<32x10000xi32, #tpu.memory_space<hbm>> -> memref<1x10000xi32, #tpu.memory_space<hbm>>
      %dma_wait3A_64 = tpu.memref_squeeze %dma_wait3A_63 : memref<1x10000xi32, #tpu.memory_space<hbm>> -> memref<10000xi32, #tpu.memory_space<hbm>>
      %dma_wait3A_65 = arith.constant 0 : i32
      %dma_wait3A_66 = arith.constant 0 : i32
      %dma_wait3A_67 = tpu.memref_slice %arg2[%run_scoped3A_8, %dma_wait3A_65, %dma_wait3A_66] : memref<2x32x10000xi32, #tpu.memory_space<hbm>> -> memref<1x32x10000xi32, #tpu.memory_space<hbm>>
      %dma_wait3A_68 = tpu.memref_squeeze %dma_wait3A_67 : memref<1x32x10000xi32, #tpu.memory_space<hbm>> -> memref<32x10000xi32, #tpu.memory_space<hbm>>
      %dma_wait3A_69 = arith.constant 0 : i32
      %dma_wait3A_70 = tpu.memref_slice %dma_wait3A_68[%add3A, %dma_wait3A_69] : memref<32x10000xi32, #tpu.memory_space<hbm>> -> memref<1x10000xi32, #tpu.memory_space<hbm>>
      %dma_wait3A_71 = tpu.memref_squeeze %dma_wait3A_70 : memref<1x10000xi32, #tpu.memory_space<hbm>> -> memref<10000xi32, #tpu.memory_space<hbm>>
      tpu.wait_dma2 semaphore(%run_scoped3A_43 : memref<!tpu.dma_semaphore, #tpu.memory_space<semaphore_mem>>) src(%dma_wait3A_71 : memref<10000xi32, #tpu.memory_space<hbm>>) dst(%arg7 : memref<10000xi32, #tpu.memory_space<vmem>>)
      tpu.yield
    }) : () -> ()
    %barrier3A = arith.constant 0 : index
    tpu.barrier barrier_id(%barrier3A)
    %dma_start3A = arith.constant 0 : i32
    %dma_start3A_9 = arith.constant 0 : i32
    %dma_start3A_10 = arith.constant 0 : i32
    %dma_start3A_11 = tpu.memref_slice %arg8[%dma_start3A, %dma_start3A_9, %dma_start3A_10] : memref<2x1000x16xf32, #tpu.memory_space<vmem>> -> memref<1x1000x16xf32, #tpu.memory_space<vmem>>
    %dma_start3A_12 = tpu.memref_squeeze %dma_start3A_11 : memref<1x1000x16xf32, #tpu.memory_space<vmem>> -> memref<1000x16xf32, #tpu.memory_space<vmem>>
    %dma_start3A_13 = arith.constant 0 : i32
    %dma_start3A_14 = tpu.memref_slice %arg6[%dma_start3A_13] : memref<10000xi32, #tpu.memory_space<vmem>> -> memref<1000xi32, #tpu.memory_space<vmem>>
    %dma_start3A_15 = arith.constant 0 : i32
    %dma_start3A_16 = arith.constant 0 : i32
    %dma_start3A_17 = tpu.memref_slice %arg10[%dma_start3A_15, %dma_start3A_16] : memref<10240x16xf32, #tpu.memory_space<vmem_shared>> -> memref<10240x16xf32, #tpu.memory_space<vmem_shared>>
    tpu.enqueue_indirect_dma source(%dma_start3A_17 : memref<10240x16xf32, #tpu.memory_space<vmem_shared>>) target(%dma_start3A_12 : memref<1000x16xf32, #tpu.memory_space<vmem>>) offsets(%dma_start3A_14 : memref<1000xi32, #tpu.memory_space<vmem>>) semaphore(%arg11 : memref<!tpu.dma_semaphore, #tpu.memory_space<semaphore_mem>>)
    %scan3A = arith.constant 0 : i32
    %scan3A_18 = arith.constant 0 : i32
    %scan3A_19 = arith.constant 10 : i32
    %scan3A_20 = arith.addi %scan3A_18, %scan3A_19 : i32
    %scan3A_21 = arith.constant 1 : i32
    scf.for %scan3A_43 = %scan3A_18 to %scan3A_20 step %scan3A_21  : i32 {
      %mul3A_44 = arith.constant 1000 : i32
      %mul3A_45 = arith.muli %scan3A_43, %mul3A_44 : i32
      %multiple_of3A = tpu.assume_multiple %mul3A_45, 1000 : i32
      %rem3A = arith.constant 2 : i32
      %rem3A_46 = arith.remsi %scan3A_43, %rem3A : i32
      %eq3A_47 = arith.constant 0 : i32
      %eq3A_48 = arith.cmpi eq, %rem3A_46, %eq3A_47 : i32
      %convert_element_type3A_49 = arith.extui %eq3A_48 : i1 to i32
      %cond3A_50 = arith.constant 0 : i32
      %cond3A_51 = arith.cmpi ne, %convert_element_type3A_49, %cond3A_50 : i32
      scf.if %cond3A_51 {
        %dma_wait3A_59 = arith.constant 0 : i32
        %dma_wait3A_60 = arith.constant 0 : i32
        %dma_wait3A_61 = arith.constant 0 : i32
        %dma_wait3A_62 = tpu.memref_slice %arg8[%dma_wait3A_59, %dma_wait3A_60, %dma_wait3A_61] : memref<2x1000x16xf32, #tpu.memory_space<vmem>> -> memref<1x1000x16xf32, #tpu.memory_space<vmem>>
        %dma_wait3A_63 = tpu.memref_squeeze %dma_wait3A_62 : memref<1x1000x16xf32, #tpu.memory_space<vmem>> -> memref<1000x16xf32, #tpu.memory_space<vmem>>
        %dma_wait3A_64 = tpu.memref_slice %arg6[%multiple_of3A] : memref<10000xi32, #tpu.memory_space<vmem>> -> memref<1000xi32, #tpu.memory_space<vmem>>
        %dma_wait3A_65 = arith.constant 0 : i32
        %dma_wait3A_66 = arith.constant 0 : i32
        %dma_wait3A_67 = tpu.memref_slice %arg10[%dma_wait3A_65, %dma_wait3A_66] : memref<10240x16xf32, #tpu.memory_space<vmem_shared>> -> memref<10240x16xf32, #tpu.memory_space<vmem_shared>>
        tpu.wait_indirect_dma semaphore(%arg11 : memref<!tpu.dma_semaphore, #tpu.memory_space<semaphore_mem>>) src(%dma_wait3A_67 : memref<10240x16xf32, #tpu.memory_space<vmem_shared>>) dst(%dma_wait3A_63 : memref<1000x16xf32, #tpu.memory_space<vmem>>)
        %ge3A = arith.constant 1 : i32
        %ge3A_68 = arith.cmpi sge, %scan3A_43, %ge3A : i32
        %convert_element_type3A_69 = arith.extui %ge3A_68 : i1 to i32
        %cond3A_70 = arith.constant 0 : i32
        %cond3A_71 = arith.cmpi ne, %convert_element_type3A_69, %cond3A_70 : i32
        scf.if %cond3A_71 {
          %dma_wait3A_190 = arith.constant 1 : i32
          %dma_wait3A_191 = arith.constant 0 : i32
          %dma_wait3A_192 = arith.constant 0 : i32
          %dma_wait3A_193 = tpu.memref_slice %arg8[%dma_wait3A_190, %dma_wait3A_191, %dma_wait3A_192] : memref<2x1000x16xf32, #tpu.memory_space<vmem>> -> memref<1x1000x16xf32, #tpu.memory_space<vmem>>
          %dma_wait3A_194 = tpu.memref_squeeze %dma_wait3A_193 : memref<1x1000x16xf32, #tpu.memory_space<vmem>> -> memref<1000x16xf32, #tpu.memory_space<vmem>>
          %dma_wait3A_195 = arith.constant 0 : i32
          %dma_wait3A_196 = arith.constant 0 : i32
          %dma_wait3A_197 = tpu.memref_slice %arg3[%dma_wait3A_195, %dma_wait3A_196] : memref<10240x16xf32, #tpu.memory_space<hbm>> -> memref<1000x16xf32, #tpu.memory_space<hbm>>
          %dma_wait3A_198 = arith.constant 0 : i32
          %dma_wait3A_199 = arith.constant 0 : i32
          %dma_wait3A_200 = tpu.memref_slice %arg8[%dma_wait3A_190, %dma_wait3A_198, %dma_wait3A_199] : memref<2x1000x16xf32, #tpu.memory_space<vmem>> -> memref<1x1000x16xf32, #tpu.memory_space<vmem>>
          %dma_wait3A_201 = tpu.memref_squeeze %dma_wait3A_200 : memref<1x1000x16xf32, #tpu.memory_space<vmem>> -> memref<1000x16xf32, #tpu.memory_space<vmem>>
          %dma_wait3A_202 = arith.constant 0 : i32
          %dma_wait3A_203 = arith.constant 0 : i32
          %dma_wait3A_204 = tpu.memref_slice %arg3[%dma_wait3A_202, %dma_wait3A_203] : memref<10240x16xf32, #tpu.memory_space<hbm>> -> memref<1000x16xf32, #tpu.memory_space<hbm>>
          tpu.wait_dma2 semaphore(%arg14 : memref<!tpu.dma_semaphore, #tpu.memory_space<semaphore_mem>>) src(%dma_wait3A_204 : memref<1000x16xf32, #tpu.memory_space<hbm>>) dst(%dma_wait3A_201 : memref<1000x16xf32, #tpu.memory_space<vmem>>)
        } else {
        }
        %add3A_72 = arith.constant 1 : i32
        %add3A_73 = arith.addi %scan3A_43, %add3A_72 : i32
        %lt3A = arith.constant 10 : i32
        %lt3A_74 = arith.cmpi slt, %add3A_73, %lt3A : i32
        %convert_element_type3A_75 = arith.extui %lt3A_74 : i1 to i32
        %cond3A_76 = arith.constant 0 : i32
        %cond3A_77 = arith.cmpi ne, %convert_element_type3A_75, %cond3A_76 : i32
        scf.if %cond3A_77 {
          %add3A_190 = arith.constant 1000 : i32
          %add3A_191 = arith.addi %multiple_of3A, %add3A_190 : i32
          %dma_start3A_192 = arith.constant 1 : i32
          %dma_start3A_193 = arith.constant 0 : i32
          %dma_start3A_194 = arith.constant 0 : i32
          %dma_start3A_195 = tpu.memref_slice %arg8[%dma_start3A_192, %dma_start3A_193, %dma_start3A_194] : memref<2x1000x16xf32, #tpu.memory_space<vmem>> -> memref<1x1000x16xf32, #tpu.memory_space<vmem>>
          %dma_start3A_196 = tpu.memref_squeeze %dma_start3A_195 : memref<1x1000x16xf32, #tpu.memory_space<vmem>> -> memref<1000x16xf32, #tpu.memory_space<vmem>>
          %dma_start3A_197 = tpu.memref_slice %arg6[%add3A_191] : memref<10000xi32, #tpu.memory_space<vmem>> -> memref<1000xi32, #tpu.memory_space<vmem>>
          %dma_start3A_198 = arith.constant 0 : i32
          %dma_start3A_199 = arith.constant 0 : i32
          %dma_start3A_200 = tpu.memref_slice %arg10[%dma_start3A_198, %dma_start3A_199] : memref<10240x16xf32, #tpu.memory_space<vmem_shared>> -> memref<10240x16xf32, #tpu.memory_space<vmem_shared>>
          tpu.enqueue_indirect_dma source(%dma_start3A_200 : memref<10240x16xf32, #tpu.memory_space<vmem_shared>>) target(%dma_start3A_196 : memref<1000x16xf32, #tpu.memory_space<vmem>>) offsets(%dma_start3A_197 : memref<1000xi32, #tpu.memory_space<vmem>>) semaphore(%arg12 : memref<!tpu.dma_semaphore, #tpu.memory_space<semaphore_mem>>)
        } else {
        }
        %add3A_78 = arith.constant 0 : i32
        %add3A_79 = arith.addi %multiple_of3A, %add3A_78 : i32
        %dma_start3A_80 = arith.constant 0 : i32
        %dma_start3A_81 = arith.constant 0 : i32
        %dma_start3A_82 = arith.constant 0 : i32
        %dma_start3A_83 = tpu.memref_slice %arg8[%dma_start3A_80, %dma_start3A_81, %dma_start3A_82] : memref<2x1000x16xf32, #tpu.memory_space<vmem>> -> memref<1x1000x16xf32, #tpu.memory_space<vmem>>
        %dma_start3A_84 = tpu.memref_squeeze %dma_start3A_83 : memref<1x1000x16xf32, #tpu.memory_space<vmem>> -> memref<1000x16xf32, #tpu.memory_space<vmem>>
        %dma_start3A_85 = arith.constant 0 : i32
        %dma_start3A_86 = arith.constant 0 : i32
        %dma_start3A_87 = tpu.memref_slice %dma_start3A_84[%dma_start3A_85, %dma_start3A_86] : memref<1000x16xf32, #tpu.memory_space<vmem>> -> memref<128x16xf32, #tpu.memory_space<vmem>>
        %dma_start3A_88 = tpu.memref_slice %arg7[%add3A_79] : memref<10000xi32, #tpu.memory_space<vmem>> -> memref<128xi32, #tpu.memory_space<vmem>>
        %dma_start3A_89 = arith.constant 0 : i32
        %dma_start3A_90 = arith.constant 0 : i32
        %dma_start3A_91 = tpu.memref_slice %arg9[%dma_start3A_89, %dma_start3A_90] : memref<10240x16xf32, #tpu.memory_space<vmem_shared>> -> memref<10240x16xf32, #tpu.memory_space<vmem_shared>>
        tpu.enqueue_indirect_dma source(%dma_start3A_87 : memref<128x16xf32, #tpu.memory_space<vmem>>) target(%dma_start3A_91 : memref<10240x16xf32, #tpu.memory_space<vmem_shared>>) offsets(%dma_start3A_88 : memref<128xi32, #tpu.memory_space<vmem>>) semaphore(%arg13 : memref<!tpu.dma_semaphore, #tpu.memory_space<semaphore_mem>>) {add = true}
        %add3A_92 = arith.constant 128 : i32
        %add3A_93 = arith.addi %multiple_of3A, %add3A_92 : i32
        %dma_start3A_94 = arith.constant 0 : i32
        %dma_start3A_95 = arith.constant 0 : i32
        %dma_start3A_96 = arith.constant 0 : i32
        %dma_start3A_97 = tpu.memref_slice %arg8[%dma_start3A_94, %dma_start3A_95, %dma_start3A_96] : memref<2x1000x16xf32, #tpu.memory_space<vmem>> -> memref<1x1000x16xf32, #tpu.memory_space<vmem>>
        %dma_start3A_98 = tpu.memref_squeeze %dma_start3A_97 : memref<1x1000x16xf32, #tpu.memory_space<vmem>> -> memref<1000x16xf32, #tpu.memory_space<vmem>>
        %dma_start3A_99 = arith.constant 128 : i32
        %dma_start3A_100 = arith.constant 0 : i32
        %dma_start3A_101 = tpu.memref_slice %dma_start3A_98[%dma_start3A_99, %dma_start3A_100] : memref<1000x16xf32, #tpu.memory_space<vmem>> -> memref<128x16xf32, #tpu.memory_space<vmem>>
        %dma_start3A_102 = tpu.memref_slice %arg7[%add3A_93] : memref<10000xi32, #tpu.memory_space<vmem>> -> memref<128xi32, #tpu.memory_space<vmem>>
        %dma_start3A_103 = arith.constant 0 : i32
        %dma_start3A_104 = arith.constant 0 : i32
        %dma_start3A_105 = tpu.memref_slice %arg9[%dma_start3A_103, %dma_start3A_104] : memref<10240x16xf32, #tpu.memory_space<vmem_shared>> -> memref<10240x16xf32, #tpu.memory_space<vmem_shared>>
        tpu.enqueue_indirect_dma source(%dma_start3A_101 : memref<128x16xf32, #tpu.memory_space<vmem>>) target(%dma_start3A_105 : memref<10240x16xf32, #tpu.memory_space<vmem_shared>>) offsets(%dma_start3A_102 : memref<128xi32, #tpu.memory_space<vmem>>) semaphore(%arg13 : memref<!tpu.dma_semaphore, #tpu.memory_space<semaphore_mem>>) {add = true}
        %add3A_106 = arith.constant 256 : i32
        %add3A_107 = arith.addi %multiple_of3A, %add3A_106 : i32
        %dma_start3A_108 = arith.constant 0 : i32
        %dma_start3A_109 = arith.constant 0 : i32
        %dma_start3A_110 = arith.constant 0 : i32
        %dma_start3A_111 = tpu.memref_slice %arg8[%dma_start3A_108, %dma_start3A_109, %dma_start3A_110] : memref<2x1000x16xf32, #tpu.memory_space<vmem>> -> memref<1x1000x16xf32, #tpu.memory_space<vmem>>
        %dma_start3A_112 = tpu.memref_squeeze %dma_start3A_111 : memref<1x1000x16xf32, #tpu.memory_space<vmem>> -> memref<1000x16xf32, #tpu.memory_space<vmem>>
        %dma_start3A_113 = arith.constant 256 : i32
        %dma_start3A_114 = arith.constant 0 : i32
        %dma_start3A_115 = tpu.memref_slice %dma_start3A_112[%dma_start3A_113, %dma_start3A_114] : memref<1000x16xf32, #tpu.memory_space<vmem>> -> memref<128x16xf32, #tpu.memory_space<vmem>>
        %dma_start3A_116 = tpu.memref_slice %arg7[%add3A_107] : memref<10000xi32, #tpu.memory_space<vmem>> -> memref<128xi32, #tpu.memory_space<vmem>>
        %dma_start3A_117 = arith.constant 0 : i32
        %dma_start3A_118 = arith.constant 0 : i32
        %dma_start3A_119 = tpu.memref_slice %arg9[%dma_start3A_117, %dma_start3A_118] : memref<10240x16xf32, #tpu.memory_space<vmem_shared>> -> memref<10240x16xf32, #tpu.memory_space<vmem_shared>>
        tpu.enqueue_indirect_dma source(%dma_start3A_115 : memref<128x16xf32, #tpu.memory_space<vmem>>) target(%dma_start3A_119 : memref<10240x16xf32, #tpu.memory_space<vmem_shared>>) offsets(%dma_start3A_116 : memref<128xi32, #tpu.memory_space<vmem>>) semaphore(%arg13 : memref<!tpu.dma_semaphore, #tpu.memory_space<semaphore_mem>>) {add = true}
        %add3A_120 = arith.constant 384 : i32
        %add3A_121 = arith.addi %multiple_of3A, %add3A_120 : i32
        %dma_start3A_122 = arith.constant 0 : i32
        %dma_start3A_123 = arith.constant 0 : i32
        %dma_start3A_124 = arith.constant 0 : i32
        %dma_start3A_125 = tpu.memref_slice %arg8[%dma_start3A_122, %dma_start3A_123, %dma_start3A_124] : memref<2x1000x16xf32, #tpu.memory_space<vmem>> -> memref<1x1000x16xf32, #tpu.memory_space<vmem>>
        %dma_start3A_126 = tpu.memref_squeeze %dma_start3A_125 : memref<1x1000x16xf32, #tpu.memory_space<vmem>> -> memref<1000x16xf32, #tpu.memory_space<vmem>>
        %dma_start3A_127 = arith.constant 384 : i32
        %dma_start3A_128 = arith.constant 0 : i32
        %dma_start3A_129 = tpu.memref_slice %dma_start3A_126[%dma_start3A_127, %dma_start3A_128] : memref<1000x16xf32, #tpu.memory_space<vmem>> -> memref<128x16xf32, #tpu.memory_space<vmem>>
        %dma_start3A_130 = tpu.memref_slice %arg7[%add3A_121] : memref<10000xi32, #tpu.memory_space<vmem>> -> memref<128xi32, #tpu.memory_space<vmem>>
        %dma_start3A_131 = arith.constant 0 : i32
        %dma_start3A_132 = arith.constant 0 : i32
        %dma_start3A_133 = tpu.memref_slice %arg9[%dma_start3A_131, %dma_start3A_132] : memref<10240x16xf32, #tpu.memory_space<vmem_shared>> -> memref<10240x16xf32, #tpu.memory_space<vmem_shared>>
        tpu.enqueue_indirect_dma source(%dma_start3A_129 : memref<128x16xf32, #tpu.memory_space<vmem>>) target(%dma_start3A_133 : memref<10240x16xf32, #tpu.memory_space<vmem_shared>>) offsets(%dma_start3A_130 : memref<128xi32, #tpu.memory_space<vmem>>) semaphore(%arg13 : memref<!tpu.dma_semaphore, #tpu.memory_space<semaphore_mem>>) {add = true}
        %add3A_134 = arith.constant 512 : i32
        %add3A_135 = arith.addi %multiple_of3A, %add3A_134 : i32
        %dma_start3A_136 = arith.constant 0 : i32
        %dma_start3A_137 = arith.constant 0 : i32
        %dma_start3A_138 = arith.constant 0 : i32
        %dma_start3A_139 = tpu.memref_slice %arg8[%dma_start3A_136, %dma_start3A_137, %dma_start3A_138] : memref<2x1000x16xf32, #tpu.memory_space<vmem>> -> memref<1x1000x16xf32, #tpu.memory_space<vmem>>
        %dma_start3A_140 = tpu.memref_squeeze %dma_start3A_139 : memref<1x1000x16xf32, #tpu.memory_space<vmem>> -> memref<1000x16xf32, #tpu.memory_space<vmem>>
        %dma_start3A_141 = arith.constant 512 : i32
        %dma_start3A_142 = arith.constant 0 : i32
        %dma_start3A_143 = tpu.memref_slice %dma_start3A_140[%dma_start3A_141, %dma_start3A_142] : memref<1000x16xf32, #tpu.memory_space<vmem>> -> memref<128x16xf32, #tpu.memory_space<vmem>>
        %dma_start3A_144 = tpu.memref_slice %arg7[%add3A_135] : memref<10000xi32, #tpu.memory_space<vmem>> -> memref<128xi32, #tpu.memory_space<vmem>>
        %dma_start3A_145 = arith.constant 0 : i32
        %dma_start3A_146 = arith.constant 0 : i32
        %dma_start3A_147 = tpu.memref_slice %arg9[%dma_start3A_145, %dma_start3A_146] : memref<10240x16xf32, #tpu.memory_space<vmem_shared>> -> memref<10240x16xf32, #tpu.memory_space<vmem_shared>>
        tpu.enqueue_indirect_dma source(%dma_start3A_143 : memref<128x16xf32, #tpu.memory_space<vmem>>) target(%dma_start3A_147 : memref<10240x16xf32, #tpu.memory_space<vmem_shared>>) offsets(%dma_start3A_144 : memref<128xi32, #tpu.memory_space<vmem>>) semaphore(%arg13 : memref<!tpu.dma_semaphore, #tpu.memory_space<semaphore_mem>>) {add = true}
        %add3A_148 = arith.constant 640 : i32
        %add3A_149 = arith.addi %multiple_of3A, %add3A_148 : i32
        %dma_start3A_150 = arith.constant 0 : i32
        %dma_start3A_151 = arith.constant 0 : i32
        %dma_start3A_152 = arith.constant 0 : i32
        %dma_start3A_153 = tpu.memref_slice %arg8[%dma_start3A_150, %dma_start3A_151, %dma_start3A_152] : memref<2x1000x16xf32, #tpu.memory_space<vmem>> -> memref<1x1000x16xf32, #tpu.memory_space<vmem>>
        %dma_start3A_154 = tpu.memref_squeeze %dma_start3A_153 : memref<1x1000x16xf32, #tpu.memory_space<vmem>> -> memref<1000x16xf32, #tpu.memory_space<vmem>>
        %dma_start3A_155 = arith.constant 640 : i32
        %dma_start3A_156 = arith.constant 0 : i32
        %dma_start3A_157 = tpu.memref_slice %dma_start3A_154[%dma_start3A_155, %dma_start3A_156] : memref<1000x16xf32, #tpu.memory_space<vmem>> -> memref<128x16xf32, #tpu.memory_space<vmem>>
        %dma_start3A_158 = tpu.memref_slice %arg7[%add3A_149] : memref<10000xi32, #tpu.memory_space<vmem>> -> memref<128xi32, #tpu.memory_space<vmem>>
        %dma_start3A_159 = arith.constant 0 : i32
        %dma_start3A_160 = arith.constant 0 : i32
        %dma_start3A_161 = tpu.memref_slice %arg9[%dma_start3A_159, %dma_start3A_160] : memref<10240x16xf32, #tpu.memory_space<vmem_shared>> -> memref<10240x16xf32, #tpu.memory_space<vmem_shared>>
        tpu.enqueue_indirect_dma source(%dma_start3A_157 : memref<128x16xf32, #tpu.memory_space<vmem>>) target(%dma_start3A_161 : memref<10240x16xf32, #tpu.memory_space<vmem_shared>>) offsets(%dma_start3A_158 : memref<128xi32, #tpu.memory_space<vmem>>) semaphore(%arg13 : memref<!tpu.dma_semaphore, #tpu.memory_space<semaphore_mem>>) {add = true}
        %add3A_162 = arith.constant 768 : i32
        %add3A_163 = arith.addi %multiple_of3A, %add3A_162 : i32
        %dma_start3A_164 = arith.constant 0 : i32
        %dma_start3A_165 = arith.constant 0 : i32
        %dma_start3A_166 = arith.constant 0 : i32
        %dma_start3A_167 = tpu.memref_slice %arg8[%dma_start3A_164, %dma_start3A_165, %dma_start3A_166] : memref<2x1000x16xf32, #tpu.memory_space<vmem>> -> memref<1x1000x16xf32, #tpu.memory_space<vmem>>
        %dma_start3A_168 = tpu.memref_squeeze %dma_start3A_167 : memref<1x1000x16xf32, #tpu.memory_space<vmem>> -> memref<1000x16xf32, #tpu.memory_space<vmem>>
        %dma_start3A_169 = arith.constant 768 : i32
        %dma_start3A_170 = arith.constant 0 : i32
        %dma_start3A_171 = tpu.memref_slice %dma_start3A_168[%dma_start3A_169, %dma_start3A_170] : memref<1000x16xf32, #tpu.memory_space<vmem>> -> memref<128x16xf32, #tpu.memory_space<vmem>>
        %dma_start3A_172 = tpu.memref_slice %arg7[%add3A_163] : memref<10000xi32, #tpu.memory_space<vmem>> -> memref<128xi32, #tpu.memory_space<vmem>>
        %dma_start3A_173 = arith.constant 0 : i32
        %dma_start3A_174 = arith.constant 0 : i32
        %dma_start3A_175 = tpu.memref_slice %arg9[%dma_start3A_173, %dma_start3A_174] : memref<10240x16xf32, #tpu.memory_space<vmem_shared>> -> memref<10240x16xf32, #tpu.memory_space<vmem_shared>>
        tpu.enqueue_indirect_dma source(%dma_start3A_171 : memref<128x16xf32, #tpu.memory_space<vmem>>) target(%dma_start3A_175 : memref<10240x16xf32, #tpu.memory_space<vmem_shared>>) offsets(%dma_start3A_172 : memref<128xi32, #tpu.memory_space<vmem>>) semaphore(%arg13 : memref<!tpu.dma_semaphore, #tpu.memory_space<semaphore_mem>>) {add = true}
        %add3A_176 = arith.constant 896 : i32
        %add3A_177 = arith.addi %multiple_of3A, %add3A_176 : i32
        %dma_start3A_178 = arith.constant 0 : i32
        %dma_start3A_179 = arith.constant 0 : i32
        %dma_start3A_180 = arith.constant 0 : i32
        %dma_start3A_181 = tpu.memref_slice %arg8[%dma_start3A_178, %dma_start3A_179, %dma_start3A_180] : memref<2x1000x16xf32, #tpu.memory_space<vmem>> -> memref<1x1000x16xf32, #tpu.memory_space<vmem>>
        %dma_start3A_182 = tpu.memref_squeeze %dma_start3A_181 : memref<1x1000x16xf32, #tpu.memory_space<vmem>> -> memref<1000x16xf32, #tpu.memory_space<vmem>>
        %dma_start3A_183 = arith.constant 896 : i32
        %dma_start3A_184 = arith.constant 0 : i32
        %dma_start3A_185 = tpu.memref_slice %dma_start3A_182[%dma_start3A_183, %dma_start3A_184] : memref<1000x16xf32, #tpu.memory_space<vmem>> -> memref<104x16xf32, #tpu.memory_space<vmem>>
        %dma_start3A_186 = tpu.memref_slice %arg7[%add3A_177] : memref<10000xi32, #tpu.memory_space<vmem>> -> memref<104xi32, #tpu.memory_space<vmem>>
        %dma_start3A_187 = arith.constant 0 : i32
        %dma_start3A_188 = arith.constant 0 : i32
        %dma_start3A_189 = tpu.memref_slice %arg9[%dma_start3A_187, %dma_start3A_188] : memref<10240x16xf32, #tpu.memory_space<vmem_shared>> -> memref<10240x16xf32, #tpu.memory_space<vmem_shared>>
        tpu.enqueue_indirect_dma source(%dma_start3A_185 : memref<104x16xf32, #tpu.memory_space<vmem>>) target(%dma_start3A_189 : memref<10240x16xf32, #tpu.memory_space<vmem_shared>>) offsets(%dma_start3A_186 : memref<104xi32, #tpu.memory_space<vmem>>) semaphore(%arg13 : memref<!tpu.dma_semaphore, #tpu.memory_space<semaphore_mem>>) {add = true}
      } else {
      }
      %rem3A_52 = arith.constant 2 : i32
      %rem3A_53 = arith.remsi %scan3A_43, %rem3A_52 : i32
      %eq3A_54 = arith.constant 1 : i32
      %eq3A_55 = arith.cmpi eq, %rem3A_53, %eq3A_54 : i32
      %convert_element_type3A_56 = arith.extui %eq3A_55 : i1 to i32
      %cond3A_57 = arith.constant 0 : i32
      %cond3A_58 = arith.cmpi ne, %convert_element_type3A_56, %cond3A_57 : i32
      scf.if %cond3A_58 {
        %dma_wait3A_59 = arith.constant 1 : i32
        %dma_wait3A_60 = arith.constant 0 : i32
        %dma_wait3A_61 = arith.constant 0 : i32
        %dma_wait3A_62 = tpu.memref_slice %arg8[%dma_wait3A_59, %dma_wait3A_60, %dma_wait3A_61] : memref<2x1000x16xf32, #tpu.memory_space<vmem>> -> memref<1x1000x16xf32, #tpu.memory_space<vmem>>
        %dma_wait3A_63 = tpu.memref_squeeze %dma_wait3A_62 : memref<1x1000x16xf32, #tpu.memory_space<vmem>> -> memref<1000x16xf32, #tpu.memory_space<vmem>>
        %dma_wait3A_64 = tpu.memref_slice %arg6[%multiple_of3A] : memref<10000xi32, #tpu.memory_space<vmem>> -> memref<1000xi32, #tpu.memory_space<vmem>>
        %dma_wait3A_65 = arith.constant 0 : i32
        %dma_wait3A_66 = arith.constant 0 : i32
        %dma_wait3A_67 = tpu.memref_slice %arg10[%dma_wait3A_65, %dma_wait3A_66] : memref<10240x16xf32, #tpu.memory_space<vmem_shared>> -> memref<10240x16xf32, #tpu.memory_space<vmem_shared>>
        tpu.wait_indirect_dma semaphore(%arg12 : memref<!tpu.dma_semaphore, #tpu.memory_space<semaphore_mem>>) src(%dma_wait3A_67 : memref<10240x16xf32, #tpu.memory_space<vmem_shared>>) dst(%dma_wait3A_63 : memref<1000x16xf32, #tpu.memory_space<vmem>>)
        %ge3A = arith.constant 1 : i32
        %ge3A_68 = arith.cmpi sge, %scan3A_43, %ge3A : i32
        %convert_element_type3A_69 = arith.extui %ge3A_68 : i1 to i32
        %cond3A_70 = arith.constant 0 : i32
        %cond3A_71 = arith.cmpi ne, %convert_element_type3A_69, %cond3A_70 : i32
        scf.if %cond3A_71 {
          %dma_wait3A_190 = arith.constant 0 : i32
          %dma_wait3A_191 = arith.constant 0 : i32
          %dma_wait3A_192 = arith.constant 0 : i32
          %dma_wait3A_193 = tpu.memref_slice %arg8[%dma_wait3A_190, %dma_wait3A_191, %dma_wait3A_192] : memref<2x1000x16xf32, #tpu.memory_space<vmem>> -> memref<1x1000x16xf32, #tpu.memory_space<vmem>>
          %dma_wait3A_194 = tpu.memref_squeeze %dma_wait3A_193 : memref<1x1000x16xf32, #tpu.memory_space<vmem>> -> memref<1000x16xf32, #tpu.memory_space<vmem>>
          %dma_wait3A_195 = arith.constant 0 : i32
          %dma_wait3A_196 = arith.constant 0 : i32
          %dma_wait3A_197 = tpu.memref_slice %arg3[%dma_wait3A_195, %dma_wait3A_196] : memref<10240x16xf32, #tpu.memory_space<hbm>> -> memref<1000x16xf32, #tpu.memory_space<hbm>>
          %dma_wait3A_198 = arith.constant 0 : i32
          %dma_wait3A_199 = arith.constant 0 : i32
          %dma_wait3A_200 = tpu.memref_slice %arg8[%dma_wait3A_190, %dma_wait3A_198, %dma_wait3A_199] : memref<2x1000x16xf32, #tpu.memory_space<vmem>> -> memref<1x1000x16xf32, #tpu.memory_space<vmem>>
          %dma_wait3A_201 = tpu.memref_squeeze %dma_wait3A_200 : memref<1x1000x16xf32, #tpu.memory_space<vmem>> -> memref<1000x16xf32, #tpu.memory_space<vmem>>
          %dma_wait3A_202 = arith.constant 0 : i32
          %dma_wait3A_203 = arith.constant 0 : i32
          %dma_wait3A_204 = tpu.memref_slice %arg3[%dma_wait3A_202, %dma_wait3A_203] : memref<10240x16xf32, #tpu.memory_space<hbm>> -> memref<1000x16xf32, #tpu.memory_space<hbm>>
          tpu.wait_dma2 semaphore(%arg13 : memref<!tpu.dma_semaphore, #tpu.memory_space<semaphore_mem>>) src(%dma_wait3A_204 : memref<1000x16xf32, #tpu.memory_space<hbm>>) dst(%dma_wait3A_201 : memref<1000x16xf32, #tpu.memory_space<vmem>>)
        } else {
        }
        %add3A_72 = arith.constant 1 : i32
        %add3A_73 = arith.addi %scan3A_43, %add3A_72 : i32
        %lt3A = arith.constant 10 : i32
        %lt3A_74 = arith.cmpi slt, %add3A_73, %lt3A : i32
        %convert_element_type3A_75 = arith.extui %lt3A_74 : i1 to i32
        %cond3A_76 = arith.constant 0 : i32
        %cond3A_77 = arith.cmpi ne, %convert_element_type3A_75, %cond3A_76 : i32
        scf.if %cond3A_77 {
          %add3A_190 = arith.constant 1000 : i32
          %add3A_191 = arith.addi %multiple_of3A, %add3A_190 : i32
          %dma_start3A_192 = arith.constant 0 : i32
          %dma_start3A_193 = arith.constant 0 : i32
          %dma_start3A_194 = arith.constant 0 : i32
          %dma_start3A_195 = tpu.memref_slice %arg8[%dma_start3A_192, %dma_start3A_193, %dma_start3A_194] : memref<2x1000x16xf32, #tpu.memory_space<vmem>> -> memref<1x1000x16xf32, #tpu.memory_space<vmem>>
          %dma_start3A_196 = tpu.memref_squeeze %dma_start3A_195 : memref<1x1000x16xf32, #tpu.memory_space<vmem>> -> memref<1000x16xf32, #tpu.memory_space<vmem>>
          %dma_start3A_197 = tpu.memref_slice %arg6[%add3A_191] : memref<10000xi32, #tpu.memory_space<vmem>> -> memref<1000xi32, #tpu.memory_space<vmem>>
          %dma_start3A_198 = arith.constant 0 : i32
          %dma_start3A_199 = arith.constant 0 : i32
          %dma_start3A_200 = tpu.memref_slice %arg10[%dma_start3A_198, %dma_start3A_199] : memref<10240x16xf32, #tpu.memory_space<vmem_shared>> -> memref<10240x16xf32, #tpu.memory_space<vmem_shared>>
          tpu.enqueue_indirect_dma source(%dma_start3A_200 : memref<10240x16xf32, #tpu.memory_space<vmem_shared>>) target(%dma_start3A_196 : memref<1000x16xf32, #tpu.memory_space<vmem>>) offsets(%dma_start3A_197 : memref<1000xi32, #tpu.memory_space<vmem>>) semaphore(%arg11 : memref<!tpu.dma_semaphore, #tpu.memory_space<semaphore_mem>>)
        } else {
        }
        %add3A_78 = arith.constant 0 : i32
        %add3A_79 = arith.addi %multiple_of3A, %add3A_78 : i32
        %dma_start3A_80 = arith.constant 1 : i32
        %dma_start3A_81 = arith.constant 0 : i32
        %dma_start3A_82 = arith.constant 0 : i32
        %dma_start3A_83 = tpu.memref_slice %arg8[%dma_start3A_80, %dma_start3A_81, %dma_start3A_82] : memref<2x1000x16xf32, #tpu.memory_space<vmem>> -> memref<1x1000x16xf32, #tpu.memory_space<vmem>>
        %dma_start3A_84 = tpu.memref_squeeze %dma_start3A_83 : memref<1x1000x16xf32, #tpu.memory_space<vmem>> -> memref<1000x16xf32, #tpu.memory_space<vmem>>
        %dma_start3A_85 = arith.constant 0 : i32
        %dma_start3A_86 = arith.constant 0 : i32
        %dma_start3A_87 = tpu.memref_slice %dma_start3A_84[%dma_start3A_85, %dma_start3A_86] : memref<1000x16xf32, #tpu.memory_space<vmem>> -> memref<128x16xf32, #tpu.memory_space<vmem>>
        %dma_start3A_88 = tpu.memref_slice %arg7[%add3A_79] : memref<10000xi32, #tpu.memory_space<vmem>> -> memref<128xi32, #tpu.memory_space<vmem>>
        %dma_start3A_89 = arith.constant 0 : i32
        %dma_start3A_90 = arith.constant 0 : i32
        %dma_start3A_91 = tpu.memref_slice %arg9[%dma_start3A_89, %dma_start3A_90] : memref<10240x16xf32, #tpu.memory_space<vmem_shared>> -> memref<10240x16xf32, #tpu.memory_space<vmem_shared>>
        tpu.enqueue_indirect_dma source(%dma_start3A_87 : memref<128x16xf32, #tpu.memory_space<vmem>>) target(%dma_start3A_91 : memref<10240x16xf32, #tpu.memory_space<vmem_shared>>) offsets(%dma_start3A_88 : memref<128xi32, #tpu.memory_space<vmem>>) semaphore(%arg14 : memref<!tpu.dma_semaphore, #tpu.memory_space<semaphore_mem>>) {add = true}
        %add3A_92 = arith.constant 128 : i32
        %add3A_93 = arith.addi %multiple_of3A, %add3A_92 : i32
        %dma_start3A_94 = arith.constant 1 : i32
        %dma_start3A_95 = arith.constant 0 : i32
        %dma_start3A_96 = arith.constant 0 : i32
        %dma_start3A_97 = tpu.memref_slice %arg8[%dma_start3A_94, %dma_start3A_95, %dma_start3A_96] : memref<2x1000x16xf32, #tpu.memory_space<vmem>> -> memref<1x1000x16xf32, #tpu.memory_space<vmem>>
        %dma_start3A_98 = tpu.memref_squeeze %dma_start3A_97 : memref<1x1000x16xf32, #tpu.memory_space<vmem>> -> memref<1000x16xf32, #tpu.memory_space<vmem>>
        %dma_start3A_99 = arith.constant 128 : i32
        %dma_start3A_100 = arith.constant 0 : i32
        %dma_start3A_101 = tpu.memref_slice %dma_start3A_98[%dma_start3A_99, %dma_start3A_100] : memref<1000x16xf32, #tpu.memory_space<vmem>> -> memref<128x16xf32, #tpu.memory_space<vmem>>
        %dma_start3A_102 = tpu.memref_slice %arg7[%add3A_93] : memref<10000xi32, #tpu.memory_space<vmem>> -> memref<128xi32, #tpu.memory_space<vmem>>
        %dma_start3A_103 = arith.constant 0 : i32
        %dma_start3A_104 = arith.constant 0 : i32
        %dma_start3A_105 = tpu.memref_slice %arg9[%dma_start3A_103, %dma_start3A_104] : memref<10240x16xf32, #tpu.memory_space<vmem_shared>> -> memref<10240x16xf32, #tpu.memory_space<vmem_shared>>
        tpu.enqueue_indirect_dma source(%dma_start3A_101 : memref<128x16xf32, #tpu.memory_space<vmem>>) target(%dma_start3A_105 : memref<10240x16xf32, #tpu.memory_space<vmem_shared>>) offsets(%dma_start3A_102 : memref<128xi32, #tpu.memory_space<vmem>>) semaphore(%arg14 : memref<!tpu.dma_semaphore, #tpu.memory_space<semaphore_mem>>) {add = true}
        %add3A_106 = arith.constant 256 : i32
        %add3A_107 = arith.addi %multiple_of3A, %add3A_106 : i32
        %dma_start3A_108 = arith.constant 1 : i32
        %dma_start3A_109 = arith.constant 0 : i32
        %dma_start3A_110 = arith.constant 0 : i32
        %dma_start3A_111 = tpu.memref_slice %arg8[%dma_start3A_108, %dma_start3A_109, %dma_start3A_110] : memref<2x1000x16xf32, #tpu.memory_space<vmem>> -> memref<1x1000x16xf32, #tpu.memory_space<vmem>>
        %dma_start3A_112 = tpu.memref_squeeze %dma_start3A_111 : memref<1x1000x16xf32, #tpu.memory_space<vmem>> -> memref<1000x16xf32, #tpu.memory_space<vmem>>
        %dma_start3A_113 = arith.constant 256 : i32
        %dma_start3A_114 = arith.constant 0 : i32
        %dma_start3A_115 = tpu.memref_slice %dma_start3A_112[%dma_start3A_113, %dma_start3A_114] : memref<1000x16xf32, #tpu.memory_space<vmem>> -> memref<128x16xf32, #tpu.memory_space<vmem>>
        %dma_start3A_116 = tpu.memref_slice %arg7[%add3A_107] : memref<10000xi32, #tpu.memory_space<vmem>> -> memref<128xi32, #tpu.memory_space<vmem>>
        %dma_start3A_117 = arith.constant 0 : i32
        %dma_start3A_118 = arith.constant 0 : i32
        %dma_start3A_119 = tpu.memref_slice %arg9[%dma_start3A_117, %dma_start3A_118] : memref<10240x16xf32, #tpu.memory_space<vmem_shared>> -> memref<10240x16xf32, #tpu.memory_space<vmem_shared>>
        tpu.enqueue_indirect_dma source(%dma_start3A_115 : memref<128x16xf32, #tpu.memory_space<vmem>>) target(%dma_start3A_119 : memref<10240x16xf32, #tpu.memory_space<vmem_shared>>) offsets(%dma_start3A_116 : memref<128xi32, #tpu.memory_space<vmem>>) semaphore(%arg14 : memref<!tpu.dma_semaphore, #tpu.memory_space<semaphore_mem>>) {add = true}
        %add3A_120 = arith.constant 384 : i32
        %add3A_121 = arith.addi %multiple_of3A, %add3A_120 : i32
        %dma_start3A_122 = arith.constant 1 : i32
        %dma_start3A_123 = arith.constant 0 : i32
        %dma_start3A_124 = arith.constant 0 : i32
        %dma_start3A_125 = tpu.memref_slice %arg8[%dma_start3A_122, %dma_start3A_123, %dma_start3A_124] : memref<2x1000x16xf32, #tpu.memory_space<vmem>> -> memref<1x1000x16xf32, #tpu.memory_space<vmem>>
        %dma_start3A_126 = tpu.memref_squeeze %dma_start3A_125 : memref<1x1000x16xf32, #tpu.memory_space<vmem>> -> memref<1000x16xf32, #tpu.memory_space<vmem>>
        %dma_start3A_127 = arith.constant 384 : i32
        %dma_start3A_128 = arith.constant 0 : i32
        %dma_start3A_129 = tpu.memref_slice %dma_start3A_126[%dma_start3A_127, %dma_start3A_128] : memref<1000x16xf32, #tpu.memory_space<vmem>> -> memref<128x16xf32, #tpu.memory_space<vmem>>
        %dma_start3A_130 = tpu.memref_slice %arg7[%add3A_121] : memref<10000xi32, #tpu.memory_space<vmem>> -> memref<128xi32, #tpu.memory_space<vmem>>
        %dma_start3A_131 = arith.constant 0 : i32
        %dma_start3A_132 = arith.constant 0 : i32
        %dma_start3A_133 = tpu.memref_slice %arg9[%dma_start3A_131, %dma_start3A_132] : memref<10240x16xf32, #tpu.memory_space<vmem_shared>> -> memref<10240x16xf32, #tpu.memory_space<vmem_shared>>
        tpu.enqueue_indirect_dma source(%dma_start3A_129 : memref<128x16xf32, #tpu.memory_space<vmem>>) target(%dma_start3A_133 : memref<10240x16xf32, #tpu.memory_space<vmem_shared>>) offsets(%dma_start3A_130 : memref<128xi32, #tpu.memory_space<vmem>>) semaphore(%arg14 : memref<!tpu.dma_semaphore, #tpu.memory_space<semaphore_mem>>) {add = true}
        %add3A_134 = arith.constant 512 : i32
        %add3A_135 = arith.addi %multiple_of3A, %add3A_134 : i32
        %dma_start3A_136 = arith.constant 1 : i32
        %dma_start3A_137 = arith.constant 0 : i32
        %dma_start3A_138 = arith.constant 0 : i32
        %dma_start3A_139 = tpu.memref_slice %arg8[%dma_start3A_136, %dma_start3A_137, %dma_start3A_138] : memref<2x1000x16xf32, #tpu.memory_space<vmem>> -> memref<1x1000x16xf32, #tpu.memory_space<vmem>>
        %dma_start3A_140 = tpu.memref_squeeze %dma_start3A_139 : memref<1x1000x16xf32, #tpu.memory_space<vmem>> -> memref<1000x16xf32, #tpu.memory_space<vmem>>
        %dma_start3A_141 = arith.constant 512 : i32
        %dma_start3A_142 = arith.constant 0 : i32
        %dma_start3A_143 = tpu.memref_slice %dma_start3A_140[%dma_start3A_141, %dma_start3A_142] : memref<1000x16xf32, #tpu.memory_space<vmem>> -> memref<128x16xf32, #tpu.memory_space<vmem>>
        %dma_start3A_144 = tpu.memref_slice %arg7[%add3A_135] : memref<10000xi32, #tpu.memory_space<vmem>> -> memref<128xi32, #tpu.memory_space<vmem>>
        %dma_start3A_145 = arith.constant 0 : i32
        %dma_start3A_146 = arith.constant 0 : i32
        %dma_start3A_147 = tpu.memref_slice %arg9[%dma_start3A_145, %dma_start3A_146] : memref<10240x16xf32, #tpu.memory_space<vmem_shared>> -> memref<10240x16xf32, #tpu.memory_space<vmem_shared>>
        tpu.enqueue_indirect_dma source(%dma_start3A_143 : memref<128x16xf32, #tpu.memory_space<vmem>>) target(%dma_start3A_147 : memref<10240x16xf32, #tpu.memory_space<vmem_shared>>) offsets(%dma_start3A_144 : memref<128xi32, #tpu.memory_space<vmem>>) semaphore(%arg14 : memref<!tpu.dma_semaphore, #tpu.memory_space<semaphore_mem>>) {add = true}
        %add3A_148 = arith.constant 640 : i32
        %add3A_149 = arith.addi %multiple_of3A, %add3A_148 : i32
        %dma_start3A_150 = arith.constant 1 : i32
        %dma_start3A_151 = arith.constant 0 : i32
        %dma_start3A_152 = arith.constant 0 : i32
        %dma_start3A_153 = tpu.memref_slice %arg8[%dma_start3A_150, %dma_start3A_151, %dma_start3A_152] : memref<2x1000x16xf32, #tpu.memory_space<vmem>> -> memref<1x1000x16xf32, #tpu.memory_space<vmem>>
        %dma_start3A_154 = tpu.memref_squeeze %dma_start3A_153 : memref<1x1000x16xf32, #tpu.memory_space<vmem>> -> memref<1000x16xf32, #tpu.memory_space<vmem>>
        %dma_start3A_155 = arith.constant 640 : i32
        %dma_start3A_156 = arith.constant 0 : i32
        %dma_start3A_157 = tpu.memref_slice %dma_start3A_154[%dma_start3A_155, %dma_start3A_156] : memref<1000x16xf32, #tpu.memory_space<vmem>> -> memref<128x16xf32, #tpu.memory_space<vmem>>
        %dma_start3A_158 = tpu.memref_slice %arg7[%add3A_149] : memref<10000xi32, #tpu.memory_space<vmem>> -> memref<128xi32, #tpu.memory_space<vmem>>
        %dma_start3A_159 = arith.constant 0 : i32
        %dma_start3A_160 = arith.constant 0 : i32
        %dma_start3A_161 = tpu.memref_slice %arg9[%dma_start3A_159, %dma_start3A_160] : memref<10240x16xf32, #tpu.memory_space<vmem_shared>> -> memref<10240x16xf32, #tpu.memory_space<vmem_shared>>
        tpu.enqueue_indirect_dma source(%dma_start3A_157 : memref<128x16xf32, #tpu.memory_space<vmem>>) target(%dma_start3A_161 : memref<10240x16xf32, #tpu.memory_space<vmem_shared>>) offsets(%dma_start3A_158 : memref<128xi32, #tpu.memory_space<vmem>>) semaphore(%arg14 : memref<!tpu.dma_semaphore, #tpu.memory_space<semaphore_mem>>) {add = true}
        %add3A_162 = arith.constant 768 : i32
        %add3A_163 = arith.addi %multiple_of3A, %add3A_162 : i32
        %dma_start3A_164 = arith.constant 1 : i32
        %dma_start3A_165 = arith.constant 0 : i32
        %dma_start3A_166 = arith.constant 0 : i32
        %dma_start3A_167 = tpu.memref_slice %arg8[%dma_start3A_164, %dma_start3A_165, %dma_start3A_166] : memref<2x1000x16xf32, #tpu.memory_space<vmem>> -> memref<1x1000x16xf32, #tpu.memory_space<vmem>>
        %dma_start3A_168 = tpu.memref_squeeze %dma_start3A_167 : memref<1x1000x16xf32, #tpu.memory_space<vmem>> -> memref<1000x16xf32, #tpu.memory_space<vmem>>
        %dma_start3A_169 = arith.constant 768 : i32
        %dma_start3A_170 = arith.constant 0 : i32
        %dma_start3A_171 = tpu.memref_slice %dma_start3A_168[%dma_start3A_169, %dma_start3A_170] : memref<1000x16xf32, #tpu.memory_space<vmem>> -> memref<128x16xf32, #tpu.memory_space<vmem>>
        %dma_start3A_172 = tpu.memref_slice %arg7[%add3A_163] : memref<10000xi32, #tpu.memory_space<vmem>> -> memref<128xi32, #tpu.memory_space<vmem>>
        %dma_start3A_173 = arith.constant 0 : i32
        %dma_start3A_174 = arith.constant 0 : i32
        %dma_start3A_175 = tpu.memref_slice %arg9[%dma_start3A_173, %dma_start3A_174] : memref<10240x16xf32, #tpu.memory_space<vmem_shared>> -> memref<10240x16xf32, #tpu.memory_space<vmem_shared>>
        tpu.enqueue_indirect_dma source(%dma_start3A_171 : memref<128x16xf32, #tpu.memory_space<vmem>>) target(%dma_start3A_175 : memref<10240x16xf32, #tpu.memory_space<vmem_shared>>) offsets(%dma_start3A_172 : memref<128xi32, #tpu.memory_space<vmem>>) semaphore(%arg14 : memref<!tpu.dma_semaphore, #tpu.memory_space<semaphore_mem>>) {add = true}
        %add3A_176 = arith.constant 896 : i32
        %add3A_177 = arith.addi %multiple_of3A, %add3A_176 : i32
        %dma_start3A_178 = arith.constant 1 : i32
        %dma_start3A_179 = arith.constant 0 : i32
        %dma_start3A_180 = arith.constant 0 : i32
        %dma_start3A_181 = tpu.memref_slice %arg8[%dma_start3A_178, %dma_start3A_179, %dma_start3A_180] : memref<2x1000x16xf32, #tpu.memory_space<vmem>> -> memref<1x1000x16xf32, #tpu.memory_space<vmem>>
        %dma_start3A_182 = tpu.memref_squeeze %dma_start3A_181 : memref<1x1000x16xf32, #tpu.memory_space<vmem>> -> memref<1000x16xf32, #tpu.memory_space<vmem>>
        %dma_start3A_183 = arith.constant 896 : i32
        %dma_start3A_184 = arith.constant 0 : i32
        %dma_start3A_185 = tpu.memref_slice %dma_start3A_182[%dma_start3A_183, %dma_start3A_184] : memref<1000x16xf32, #tpu.memory_space<vmem>> -> memref<104x16xf32, #tpu.memory_space<vmem>>
        %dma_start3A_186 = tpu.memref_slice %arg7[%add3A_177] : memref<10000xi32, #tpu.memory_space<vmem>> -> memref<104xi32, #tpu.memory_space<vmem>>
        %dma_start3A_187 = arith.constant 0 : i32
        %dma_start3A_188 = arith.constant 0 : i32
        %dma_start3A_189 = tpu.memref_slice %arg9[%dma_start3A_187, %dma_start3A_188] : memref<10240x16xf32, #tpu.memory_space<vmem_shared>> -> memref<10240x16xf32, #tpu.memory_space<vmem_shared>>
        tpu.enqueue_indirect_dma source(%dma_start3A_185 : memref<104x16xf32, #tpu.memory_space<vmem>>) target(%dma_start3A_189 : memref<10240x16xf32, #tpu.memory_space<vmem_shared>>) offsets(%dma_start3A_186 : memref<104xi32, #tpu.memory_space<vmem>>) semaphore(%arg14 : memref<!tpu.dma_semaphore, #tpu.memory_space<semaphore_mem>>) {add = true}
      } else {
      }
    }
    %scan3A_22 = arith.constant 10 : i32
    %dma_wait3A = arith.constant 1 : i32
    %dma_wait3A_23 = arith.constant 0 : i32
    %dma_wait3A_24 = arith.constant 0 : i32
    %dma_wait3A_25 = tpu.memref_slice %arg8[%dma_wait3A, %dma_wait3A_23, %dma_wait3A_24] : memref<2x1000x16xf32, #tpu.memory_space<vmem>> -> memref<1x1000x16xf32, #tpu.memory_space<vmem>>
    %dma_wait3A_26 = tpu.memref_squeeze %dma_wait3A_25 : memref<1x1000x16xf32, #tpu.memory_space<vmem>> -> memref<1000x16xf32, #tpu.memory_space<vmem>>
    %dma_wait3A_27 = arith.constant 0 : i32
    %dma_wait3A_28 = arith.constant 0 : i32
    %dma_wait3A_29 = tpu.memref_slice %arg3[%dma_wait3A_27, %dma_wait3A_28] : memref<10240x16xf32, #tpu.memory_space<hbm>> -> memref<1000x16xf32, #tpu.memory_space<hbm>>
    %dma_wait3A_30 = arith.constant 0 : i32
    %dma_wait3A_31 = arith.constant 0 : i32
    %dma_wait3A_32 = tpu.memref_slice %arg8[%dma_wait3A, %dma_wait3A_30, %dma_wait3A_31] : memref<2x1000x16xf32, #tpu.memory_space<vmem>> -> memref<1x1000x16xf32, #tpu.memory_space<vmem>>
    %dma_wait3A_33 = tpu.memref_squeeze %dma_wait3A_32 : memref<1x1000x16xf32, #tpu.memory_space<vmem>> -> memref<1000x16xf32, #tpu.memory_space<vmem>>
    %dma_wait3A_34 = arith.constant 0 : i32
    %dma_wait3A_35 = arith.constant 0 : i32
    %dma_wait3A_36 = tpu.memref_slice %arg3[%dma_wait3A_34, %dma_wait3A_35] : memref<10240x16xf32, #tpu.memory_space<hbm>> -> memref<1000x16xf32, #tpu.memory_space<hbm>>
    tpu.wait_dma2 semaphore(%arg14 : memref<!tpu.dma_semaphore, #tpu.memory_space<semaphore_mem>>) src(%dma_wait3A_36 : memref<1000x16xf32, #tpu.memory_space<hbm>>) dst(%dma_wait3A_33 : memref<1000x16xf32, #tpu.memory_space<vmem>>)
    %barrier3A_37 = arith.constant 0 : index
    tpu.barrier barrier_id(%barrier3A_37)
    %eq3A_38 = arith.constant 0 : i32
    %eq3A_39 = arith.cmpi eq, %arg1, %eq3A_38 : i32
    %convert_element_type3A_40 = arith.extui %eq3A_39 : i1 to i32
    %cond3A_41 = arith.constant 0 : i32
    %cond3A_42 = arith.cmpi ne, %convert_element_type3A_40, %cond3A_41 : i32
    scf.if %cond3A_42 {
      "tpu.region"() ({
        %run_scoped3A_43 = tpu.sem_alloc : memref<!tpu.dma_semaphore, #tpu.memory_space<semaphore_mem>>
        %dma_start3A_44 = arith.constant 0 : i32
        %dma_start3A_45 = arith.constant 0 : i32
        %dma_start3A_46 = tpu.memref_slice %arg5[%arg0, %dma_start3A_44, %dma_start3A_45] : memref<2x10240x16xf32, #tpu.memory_space<hbm>> -> memref<1x10240x16xf32, #tpu.memory_space<hbm>>
        %dma_start3A_47 = tpu.memref_squeeze %dma_start3A_46 : memref<1x10240x16xf32, #tpu.memory_space<hbm>> -> memref<10240x16xf32, #tpu.memory_space<hbm>>
        tpu.enqueue_dma source(%arg9 : memref<10240x16xf32, #tpu.memory_space<vmem_shared>>) target(%dma_start3A_47 : memref<10240x16xf32, #tpu.memory_space<hbm>>) target_semaphore(%run_scoped3A_43 : memref<!tpu.dma_semaphore, #tpu.memory_space<semaphore_mem>>)
        %dma_wait3A_48 = arith.constant 0 : i32
        %dma_wait3A_49 = arith.constant 0 : i32
        %dma_wait3A_50 = tpu.memref_slice %arg5[%arg0, %dma_wait3A_48, %dma_wait3A_49] : memref<2x10240x16xf32, #tpu.memory_space<hbm>> -> memref<1x10240x16xf32, #tpu.memory_space<hbm>>
        %dma_wait3A_51 = tpu.memref_squeeze %dma_wait3A_50 : memref<1x10240x16xf32, #tpu.memory_space<hbm>> -> memref<10240x16xf32, #tpu.memory_space<hbm>>
        tpu.wait_dma2 semaphore(%run_scoped3A_43 : memref<!tpu.dma_semaphore, #tpu.memory_space<semaphore_mem>>) src(%arg9 : memref<10240x16xf32, #tpu.memory_space<vmem_shared>>) dst(%dma_wait3A_51 : memref<10240x16xf32, #tpu.memory_space<hbm>>)
        tpu.yield
      }) : () -> ()
    } else {
    }
    return
  }
}

module attributes {stable_mosaic.version = 14 : i64} {
  func.func @_mm_body(%arg0: i32, %arg1: memref<1250x8x128xf32, #tpu.memory_space<vmem>>, %arg2: memref<128x16xf32, #tpu.memory_space<vmem>>, %arg3: memref<2x80x128xf32, #tpu.memory_space<vmem>>, %arg4: memref<16x128x128xf32, #tpu.memory_space<vmem>>, %arg5: memref<1280x128xf32, #tpu.memory_space<vmem>>, %arg6: memref<80x16x128xf32, #tpu.memory_space<vmem>>, %arg7: memref<80x16x128xf32, #tpu.memory_space<vmem>>) attributes {dimension_semantics = [#tpu.dimension_semantics<arbitrary>], iteration_bounds = array<i64: 1>, scalar_prefetch = 0 : i64, scratch_operands = 1 : i64, tpu.core_type = #tpu.core_type<tc>, window_params = [{pipeline_mode = #tpu.pipeline_mode<synchronous>, transform_indices = @transform_0, window_bounds = array<i64: 1250, 8, 128>}, {pipeline_mode = #tpu.pipeline_mode<synchronous>, transform_indices = @transform_1, window_bounds = array<i64: 128, 16>}, {pipeline_mode = #tpu.pipeline_mode<synchronous>, transform_indices = @transform_2, window_bounds = array<i64: 2, 80, 128>}, {pipeline_mode = #tpu.pipeline_mode<synchronous>, transform_indices = @transform_3, window_bounds = array<i64: 16, 128, 128>}, {pipeline_mode = #tpu.pipeline_mode<synchronous>, transform_indices = @transform_4, window_bounds = array<i64: 1280, 128>}, {pipeline_mode = #tpu.pipeline_mode<synchronous>, transform_indices = @transform_5, window_bounds = array<i64: 80, 16, 128>}]} {
    %get3A = arith.constant 0 : index
    %get3A_0 = arith.constant 0 : index
    %get3A_1 = arith.constant 0 : index
    %get3A_2 = vector.load %arg3[%get3A, %get3A_0, %get3A_1] : memref<2x80x128xf32, #tpu.memory_space<vmem>>, vector<1x80x128xf32>
    %get3A_3 = vector.shape_cast %get3A_2 : vector<1x80x128xf32> to vector<80x128xf32>
    %get3A_4 = arith.constant 1 : index
    %get3A_5 = arith.constant 0 : index
    %get3A_6 = arith.constant 0 : index
    %get3A_7 = vector.load %arg3[%get3A_4, %get3A_5, %get3A_6] : memref<2x80x128xf32, #tpu.memory_space<vmem>>, vector<1x80x128xf32>
    %get3A_8 = vector.shape_cast %get3A_7 : vector<1x80x128xf32> to vector<80x128xf32>
    %add3A = arith.addf %get3A_3, %get3A_8 : vector<80x128xf32>
    %get3A_9 = arith.constant 0 : index
    %get3A_10 = arith.constant 0 : index
    %get3A_11 = arith.constant 0 : index
    %get3A_12 = vector.load %arg4[%get3A_9, %get3A_10, %get3A_11] : memref<16x128x128xf32, #tpu.memory_space<vmem>>, vector<1x128x128xf32>
    %get3A_13 = vector.shape_cast %get3A_12 : vector<1x128x128xf32> to vector<128x128xf32>
    %dot_general3A = arith.constant dense<0.000000e+00> : vector<80x128xf32>
    %dot_general3A_14 = tpu.matmul %add3A, %get3A_13, %dot_general3A {dimension_numbers = #tpu.dot_dimension_numbers<[1], [0], [0], [1], [0, 0, 1, 1], [], []>, transpose_lhs_hint = false} : vector<80x128xf32>, vector<128x128xf32>, vector<80x128xf32> -> vector<80x128xf32>
    %swap3A = arith.constant 0 : index
    %swap3A_15 = arith.constant 0 : index
    %swap3A_16 = arith.constant 0 : index
    %swap3A_17 = vector.load %arg7[%swap3A, %swap3A_15, %swap3A_16] : memref<80x16x128xf32, #tpu.memory_space<vmem>>, vector<80x1x128xf32>
    %swap3A_18 = vector.shape_cast %swap3A_17 : vector<80x1x128xf32> to vector<80x128xf32>
    %swap3A_19 = vector.shape_cast %dot_general3A_14 : vector<80x128xf32> to vector<80x1x128xf32>
    tpu.vector_store %arg7[%swap3A, %swap3A_15, %swap3A_16], %swap3A_19 {strides = array<i32>} : memref<80x16x128xf32, #tpu.memory_space<vmem>>, vector<80x1x128xf32>,
    %get3A_20 = arith.constant 1 : index
    %get3A_21 = arith.constant 0 : index
    %get3A_22 = arith.constant 0 : index
    %get3A_23 = vector.load %arg4[%get3A_20, %get3A_21, %get3A_22] : memref<16x128x128xf32, #tpu.memory_space<vmem>>, vector<1x128x128xf32>
    %get3A_24 = vector.shape_cast %get3A_23 : vector<1x128x128xf32> to vector<128x128xf32>
    %dot_general3A_25 = arith.constant dense<0.000000e+00> : vector<80x128xf32>
    %dot_general3A_26 = tpu.matmul %add3A, %get3A_24, %dot_general3A_25 {dimension_numbers = #tpu.dot_dimension_numbers<[1], [0], [0], [1], [0, 0, 1, 1], [], []>, transpose_lhs_hint = false} : vector<80x128xf32>, vector<128x128xf32>, vector<80x128xf32> -> vector<80x128xf32>
    %swap3A_27 = arith.constant 0 : index
    %swap3A_28 = arith.constant 1 : index
    %swap3A_29 = arith.constant 0 : index
    %swap3A_30 = vector.load %arg7[%swap3A_27, %swap3A_28, %swap3A_29] : memref<80x16x128xf32, #tpu.memory_space<vmem>>, vector<80x1x128xf32>
    %swap3A_31 = vector.shape_cast %swap3A_30 : vector<80x1x128xf32> to vector<80x128xf32>
    %swap3A_32 = vector.shape_cast %dot_general3A_26 : vector<80x128xf32> to vector<80x1x128xf32>
    tpu.vector_store %arg7[%swap3A_27, %swap3A_28, %swap3A_29], %swap3A_32 {strides = array<i32>} : memref<80x16x128xf32, #tpu.memory_space<vmem>>, vector<80x1x128xf32>,
    %get3A_33 = arith.constant 2 : index
    %get3A_34 = arith.constant 0 : index
    %get3A_35 = arith.constant 0 : index
    %get3A_36 = vector.load %arg4[%get3A_33, %get3A_34, %get3A_35] : memref<16x128x128xf32, #tpu.memory_space<vmem>>, vector<1x128x128xf32>
    %get3A_37 = vector.shape_cast %get3A_36 : vector<1x128x128xf32> to vector<128x128xf32>
    %dot_general3A_38 = arith.constant dense<0.000000e+00> : vector<80x128xf32>
    %dot_general3A_39 = tpu.matmul %add3A, %get3A_37, %dot_general3A_38 {dimension_numbers = #tpu.dot_dimension_numbers<[1], [0], [0], [1], [0, 0, 1, 1], [], []>, transpose_lhs_hint = false} : vector<80x128xf32>, vector<128x128xf32>, vector<80x128xf32> -> vector<80x128xf32>
    %swap3A_40 = arith.constant 0 : index
    %swap3A_41 = arith.constant 2 : index
    %swap3A_42 = arith.constant 0 : index
    %swap3A_43 = vector.load %arg7[%swap3A_40, %swap3A_41, %swap3A_42] : memref<80x16x128xf32, #tpu.memory_space<vmem>>, vector<80x1x128xf32>
    %swap3A_44 = vector.shape_cast %swap3A_43 : vector<80x1x128xf32> to vector<80x128xf32>
    %swap3A_45 = vector.shape_cast %dot_general3A_39 : vector<80x128xf32> to vector<80x1x128xf32>
    tpu.vector_store %arg7[%swap3A_40, %swap3A_41, %swap3A_42], %swap3A_45 {strides = array<i32>} : memref<80x16x128xf32, #tpu.memory_space<vmem>>, vector<80x1x128xf32>,
    %get3A_46 = arith.constant 3 : index
    %get3A_47 = arith.constant 0 : index
    %get3A_48 = arith.constant 0 : index
    %get3A_49 = vector.load %arg4[%get3A_46, %get3A_47, %get3A_48] : memref<16x128x128xf32, #tpu.memory_space<vmem>>, vector<1x128x128xf32>
    %get3A_50 = vector.shape_cast %get3A_49 : vector<1x128x128xf32> to vector<128x128xf32>
    %dot_general3A_51 = arith.constant dense<0.000000e+00> : vector<80x128xf32>
    %dot_general3A_52 = tpu.matmul %add3A, %get3A_50, %dot_general3A_51 {dimension_numbers = #tpu.dot_dimension_numbers<[1], [0], [0], [1], [0, 0, 1, 1], [], []>, transpose_lhs_hint = false} : vector<80x128xf32>, vector<128x128xf32>, vector<80x128xf32> -> vector<80x128xf32>
    %swap3A_53 = arith.constant 0 : index
    %swap3A_54 = arith.constant 3 : index
    %swap3A_55 = arith.constant 0 : index
    %swap3A_56 = vector.load %arg7[%swap3A_53, %swap3A_54, %swap3A_55] : memref<80x16x128xf32, #tpu.memory_space<vmem>>, vector<80x1x128xf32>
    %swap3A_57 = vector.shape_cast %swap3A_56 : vector<80x1x128xf32> to vector<80x128xf32>
    %swap3A_58 = vector.shape_cast %dot_general3A_52 : vector<80x128xf32> to vector<80x1x128xf32>
    tpu.vector_store %arg7[%swap3A_53, %swap3A_54, %swap3A_55], %swap3A_58 {strides = array<i32>} : memref<80x16x128xf32, #tpu.memory_space<vmem>>, vector<80x1x128xf32>,
    %get3A_59 = arith.constant 4 : index
    %get3A_60 = arith.constant 0 : index
    %get3A_61 = arith.constant 0 : index
    %get3A_62 = vector.load %arg4[%get3A_59, %get3A_60, %get3A_61] : memref<16x128x128xf32, #tpu.memory_space<vmem>>, vector<1x128x128xf32>
    %get3A_63 = vector.shape_cast %get3A_62 : vector<1x128x128xf32> to vector<128x128xf32>
    %dot_general3A_64 = arith.constant dense<0.000000e+00> : vector<80x128xf32>
    %dot_general3A_65 = tpu.matmul %add3A, %get3A_63, %dot_general3A_64 {dimension_numbers = #tpu.dot_dimension_numbers<[1], [0], [0], [1], [0, 0, 1, 1], [], []>, transpose_lhs_hint = false} : vector<80x128xf32>, vector<128x128xf32>, vector<80x128xf32> -> vector<80x128xf32>
    %swap3A_66 = arith.constant 0 : index
    %swap3A_67 = arith.constant 4 : index
    %swap3A_68 = arith.constant 0 : index
    %swap3A_69 = vector.load %arg7[%swap3A_66, %swap3A_67, %swap3A_68] : memref<80x16x128xf32, #tpu.memory_space<vmem>>, vector<80x1x128xf32>
    %swap3A_70 = vector.shape_cast %swap3A_69 : vector<80x1x128xf32> to vector<80x128xf32>
    %swap3A_71 = vector.shape_cast %dot_general3A_65 : vector<80x128xf32> to vector<80x1x128xf32>
    tpu.vector_store %arg7[%swap3A_66, %swap3A_67, %swap3A_68], %swap3A_71 {strides = array<i32>} : memref<80x16x128xf32, #tpu.memory_space<vmem>>, vector<80x1x128xf32>,
    %get3A_72 = arith.constant 5 : index
    %get3A_73 = arith.constant 0 : index
    %get3A_74 = arith.constant 0 : index
    %get3A_75 = vector.load %arg4[%get3A_72, %get3A_73, %get3A_74] : memref<16x128x128xf32, #tpu.memory_space<vmem>>, vector<1x128x128xf32>
    %get3A_76 = vector.shape_cast %get3A_75 : vector<1x128x128xf32> to vector<128x128xf32>
    %dot_general3A_77 = arith.constant dense<0.000000e+00> : vector<80x128xf32>
    %dot_general3A_78 = tpu.matmul %add3A, %get3A_76, %dot_general3A_77 {dimension_numbers = #tpu.dot_dimension_numbers<[1], [0], [0], [1], [0, 0, 1, 1], [], []>, transpose_lhs_hint = false} : vector<80x128xf32>, vector<128x128xf32>, vector<80x128xf32> -> vector<80x128xf32>
    %swap3A_79 = arith.constant 0 : index
    %swap3A_80 = arith.constant 5 : index
    %swap3A_81 = arith.constant 0 : index
    %swap3A_82 = vector.load %arg7[%swap3A_79, %swap3A_80, %swap3A_81] : memref<80x16x128xf32, #tpu.memory_space<vmem>>, vector<80x1x128xf32>
    %swap3A_83 = vector.shape_cast %swap3A_82 : vector<80x1x128xf32> to vector<80x128xf32>
    %swap3A_84 = vector.shape_cast %dot_general3A_78 : vector<80x128xf32> to vector<80x1x128xf32>
    tpu.vector_store %arg7[%swap3A_79, %swap3A_80, %swap3A_81], %swap3A_84 {strides = array<i32>} : memref<80x16x128xf32, #tpu.memory_space<vmem>>, vector<80x1x128xf32>,
    %get3A_85 = arith.constant 6 : index
    %get3A_86 = arith.constant 0 : index
    %get3A_87 = arith.constant 0 : index
    %get3A_88 = vector.load %arg4[%get3A_85, %get3A_86, %get3A_87] : memref<16x128x128xf32, #tpu.memory_space<vmem>>, vector<1x128x128xf32>
    %get3A_89 = vector.shape_cast %get3A_88 : vector<1x128x128xf32> to vector<128x128xf32>
    %dot_general3A_90 = arith.constant dense<0.000000e+00> : vector<80x128xf32>
    %dot_general3A_91 = tpu.matmul %add3A, %get3A_89, %dot_general3A_90 {dimension_numbers = #tpu.dot_dimension_numbers<[1], [0], [0], [1], [0, 0, 1, 1], [], []>, transpose_lhs_hint = false} : vector<80x128xf32>, vector<128x128xf32>, vector<80x128xf32> -> vector<80x128xf32>
    %swap3A_92 = arith.constant 0 : index
    %swap3A_93 = arith.constant 6 : index
    %swap3A_94 = arith.constant 0 : index
    %swap3A_95 = vector.load %arg7[%swap3A_92, %swap3A_93, %swap3A_94] : memref<80x16x128xf32, #tpu.memory_space<vmem>>, vector<80x1x128xf32>
    %swap3A_96 = vector.shape_cast %swap3A_95 : vector<80x1x128xf32> to vector<80x128xf32>
    %swap3A_97 = vector.shape_cast %dot_general3A_91 : vector<80x128xf32> to vector<80x1x128xf32>
    tpu.vector_store %arg7[%swap3A_92, %swap3A_93, %swap3A_94], %swap3A_97 {strides = array<i32>} : memref<80x16x128xf32, #tpu.memory_space<vmem>>, vector<80x1x128xf32>,
    %get3A_98 = arith.constant 7 : index
    %get3A_99 = arith.constant 0 : index
    %get3A_100 = arith.constant 0 : index
    %get3A_101 = vector.load %arg4[%get3A_98, %get3A_99, %get3A_100] : memref<16x128x128xf32, #tpu.memory_space<vmem>>, vector<1x128x128xf32>
    %get3A_102 = vector.shape_cast %get3A_101 : vector<1x128x128xf32> to vector<128x128xf32>
    %dot_general3A_103 = arith.constant dense<0.000000e+00> : vector<80x128xf32>
    %dot_general3A_104 = tpu.matmul %add3A, %get3A_102, %dot_general3A_103 {dimension_numbers = #tpu.dot_dimension_numbers<[1], [0], [0], [1], [0, 0, 1, 1], [], []>, transpose_lhs_hint = false} : vector<80x128xf32>, vector<128x128xf32>, vector<80x128xf32> -> vector<80x128xf32>
    %swap3A_105 = arith.constant 0 : index
    %swap3A_106 = arith.constant 7 : index
    %swap3A_107 = arith.constant 0 : index
    %swap3A_108 = vector.load %arg7[%swap3A_105, %swap3A_106, %swap3A_107] : memref<80x16x128xf32, #tpu.memory_space<vmem>>, vector<80x1x128xf32>
    %swap3A_109 = vector.shape_cast %swap3A_108 : vector<80x1x128xf32> to vector<80x128xf32>
    %swap3A_110 = vector.shape_cast %dot_general3A_104 : vector<80x128xf32> to vector<80x1x128xf32>
    tpu.vector_store %arg7[%swap3A_105, %swap3A_106, %swap3A_107], %swap3A_110 {strides = array<i32>} : memref<80x16x128xf32, #tpu.memory_space<vmem>>, vector<80x1x128xf32>,
    %get3A_111 = arith.constant 8 : index
    %get3A_112 = arith.constant 0 : index
    %get3A_113 = arith.constant 0 : index
    %get3A_114 = vector.load %arg4[%get3A_111, %get3A_112, %get3A_113] : memref<16x128x128xf32, #tpu.memory_space<vmem>>, vector<1x128x128xf32>
    %get3A_115 = vector.shape_cast %get3A_114 : vector<1x128x128xf32> to vector<128x128xf32>
    %dot_general3A_116 = arith.constant dense<0.000000e+00> : vector<80x128xf32>
    %dot_general3A_117 = tpu.matmul %add3A, %get3A_115, %dot_general3A_116 {dimension_numbers = #tpu.dot_dimension_numbers<[1], [0], [0], [1], [0, 0, 1, 1], [], []>, transpose_lhs_hint = false} : vector<80x128xf32>, vector<128x128xf32>, vector<80x128xf32> -> vector<80x128xf32>
    %swap3A_118 = arith.constant 0 : index
    %swap3A_119 = arith.constant 8 : index
    %swap3A_120 = arith.constant 0 : index
    %swap3A_121 = vector.load %arg7[%swap3A_118, %swap3A_119, %swap3A_120] : memref<80x16x128xf32, #tpu.memory_space<vmem>>, vector<80x1x128xf32>
    %swap3A_122 = vector.shape_cast %swap3A_121 : vector<80x1x128xf32> to vector<80x128xf32>
    %swap3A_123 = vector.shape_cast %dot_general3A_117 : vector<80x128xf32> to vector<80x1x128xf32>
    tpu.vector_store %arg7[%swap3A_118, %swap3A_119, %swap3A_120], %swap3A_123 {strides = array<i32>} : memref<80x16x128xf32, #tpu.memory_space<vmem>>, vector<80x1x128xf32>,
    %get3A_124 = arith.constant 9 : index
    %get3A_125 = arith.constant 0 : index
    %get3A_126 = arith.constant 0 : index
    %get3A_127 = vector.load %arg4[%get3A_124, %get3A_125, %get3A_126] : memref<16x128x128xf32, #tpu.memory_space<vmem>>, vector<1x128x128xf32>
    %get3A_128 = vector.shape_cast %get3A_127 : vector<1x128x128xf32> to vector<128x128xf32>
    %dot_general3A_129 = arith.constant dense<0.000000e+00> : vector<80x128xf32>
    %dot_general3A_130 = tpu.matmul %add3A, %get3A_128, %dot_general3A_129 {dimension_numbers = #tpu.dot_dimension_numbers<[1], [0], [0], [1], [0, 0, 1, 1], [], []>, transpose_lhs_hint = false} : vector<80x128xf32>, vector<128x128xf32>, vector<80x128xf32> -> vector<80x128xf32>
    %swap3A_131 = arith.constant 0 : index
    %swap3A_132 = arith.constant 9 : index
    %swap3A_133 = arith.constant 0 : index
    %swap3A_134 = vector.load %arg7[%swap3A_131, %swap3A_132, %swap3A_133] : memref<80x16x128xf32, #tpu.memory_space<vmem>>, vector<80x1x128xf32>
    %swap3A_135 = vector.shape_cast %swap3A_134 : vector<80x1x128xf32> to vector<80x128xf32>
    %swap3A_136 = vector.shape_cast %dot_general3A_130 : vector<80x128xf32> to vector<80x1x128xf32>
    tpu.vector_store %arg7[%swap3A_131, %swap3A_132, %swap3A_133], %swap3A_136 {strides = array<i32>} : memref<80x16x128xf32, #tpu.memory_space<vmem>>, vector<80x1x128xf32>,
    %get3A_137 = arith.constant 10 : index
    %get3A_138 = arith.constant 0 : index
    %get3A_139 = arith.constant 0 : index
    %get3A_140 = vector.load %arg4[%get3A_137, %get3A_138, %get3A_139] : memref<16x128x128xf32, #tpu.memory_space<vmem>>, vector<1x128x128xf32>
    %get3A_141 = vector.shape_cast %get3A_140 : vector<1x128x128xf32> to vector<128x128xf32>
    %dot_general3A_142 = arith.constant dense<0.000000e+00> : vector<80x128xf32>
    %dot_general3A_143 = tpu.matmul %add3A, %get3A_141, %dot_general3A_142 {dimension_numbers = #tpu.dot_dimension_numbers<[1], [0], [0], [1], [0, 0, 1, 1], [], []>, transpose_lhs_hint = false} : vector<80x128xf32>, vector<128x128xf32>, vector<80x128xf32> -> vector<80x128xf32>
    %swap3A_144 = arith.constant 0 : index
    %swap3A_145 = arith.constant 10 : index
    %swap3A_146 = arith.constant 0 : index
    %swap3A_147 = vector.load %arg7[%swap3A_144, %swap3A_145, %swap3A_146] : memref<80x16x128xf32, #tpu.memory_space<vmem>>, vector<80x1x128xf32>
    %swap3A_148 = vector.shape_cast %swap3A_147 : vector<80x1x128xf32> to vector<80x128xf32>
    %swap3A_149 = vector.shape_cast %dot_general3A_143 : vector<80x128xf32> to vector<80x1x128xf32>
    tpu.vector_store %arg7[%swap3A_144, %swap3A_145, %swap3A_146], %swap3A_149 {strides = array<i32>} : memref<80x16x128xf32, #tpu.memory_space<vmem>>, vector<80x1x128xf32>,
    %get3A_150 = arith.constant 11 : index
    %get3A_151 = arith.constant 0 : index
    %get3A_152 = arith.constant 0 : index
    %get3A_153 = vector.load %arg4[%get3A_150, %get3A_151, %get3A_152] : memref<16x128x128xf32, #tpu.memory_space<vmem>>, vector<1x128x128xf32>
    %get3A_154 = vector.shape_cast %get3A_153 : vector<1x128x128xf32> to vector<128x128xf32>
    %dot_general3A_155 = arith.constant dense<0.000000e+00> : vector<80x128xf32>
    %dot_general3A_156 = tpu.matmul %add3A, %get3A_154, %dot_general3A_155 {dimension_numbers = #tpu.dot_dimension_numbers<[1], [0], [0], [1], [0, 0, 1, 1], [], []>, transpose_lhs_hint = false} : vector<80x128xf32>, vector<128x128xf32>, vector<80x128xf32> -> vector<80x128xf32>
    %swap3A_157 = arith.constant 0 : index
    %swap3A_158 = arith.constant 11 : index
    %swap3A_159 = arith.constant 0 : index
    %swap3A_160 = vector.load %arg7[%swap3A_157, %swap3A_158, %swap3A_159] : memref<80x16x128xf32, #tpu.memory_space<vmem>>, vector<80x1x128xf32>
    %swap3A_161 = vector.shape_cast %swap3A_160 : vector<80x1x128xf32> to vector<80x128xf32>
    %swap3A_162 = vector.shape_cast %dot_general3A_156 : vector<80x128xf32> to vector<80x1x128xf32>
    tpu.vector_store %arg7[%swap3A_157, %swap3A_158, %swap3A_159], %swap3A_162 {strides = array<i32>} : memref<80x16x128xf32, #tpu.memory_space<vmem>>, vector<80x1x128xf32>,
    %get3A_163 = arith.constant 12 : index
    %get3A_164 = arith.constant 0 : index
    %get3A_165 = arith.constant 0 : index
    %get3A_166 = vector.load %arg4[%get3A_163, %get3A_164, %get3A_165] : memref<16x128x128xf32, #tpu.memory_space<vmem>>, vector<1x128x128xf32>
    %get3A_167 = vector.shape_cast %get3A_166 : vector<1x128x128xf32> to vector<128x128xf32>
    %dot_general3A_168 = arith.constant dense<0.000000e+00> : vector<80x128xf32>
    %dot_general3A_169 = tpu.matmul %add3A, %get3A_167, %dot_general3A_168 {dimension_numbers = #tpu.dot_dimension_numbers<[1], [0], [0], [1], [0, 0, 1, 1], [], []>, transpose_lhs_hint = false} : vector<80x128xf32>, vector<128x128xf32>, vector<80x128xf32> -> vector<80x128xf32>
    %swap3A_170 = arith.constant 0 : index
    %swap3A_171 = arith.constant 12 : index
    %swap3A_172 = arith.constant 0 : index
    %swap3A_173 = vector.load %arg7[%swap3A_170, %swap3A_171, %swap3A_172] : memref<80x16x128xf32, #tpu.memory_space<vmem>>, vector<80x1x128xf32>
    %swap3A_174 = vector.shape_cast %swap3A_173 : vector<80x1x128xf32> to vector<80x128xf32>
    %swap3A_175 = vector.shape_cast %dot_general3A_169 : vector<80x128xf32> to vector<80x1x128xf32>
    tpu.vector_store %arg7[%swap3A_170, %swap3A_171, %swap3A_172], %swap3A_175 {strides = array<i32>} : memref<80x16x128xf32, #tpu.memory_space<vmem>>, vector<80x1x128xf32>,
    %get3A_176 = arith.constant 13 : index
    %get3A_177 = arith.constant 0 : index
    %get3A_178 = arith.constant 0 : index
    %get3A_179 = vector.load %arg4[%get3A_176, %get3A_177, %get3A_178] : memref<16x128x128xf32, #tpu.memory_space<vmem>>, vector<1x128x128xf32>
    %get3A_180 = vector.shape_cast %get3A_179 : vector<1x128x128xf32> to vector<128x128xf32>
    %dot_general3A_181 = arith.constant dense<0.000000e+00> : vector<80x128xf32>
    %dot_general3A_182 = tpu.matmul %add3A, %get3A_180, %dot_general3A_181 {dimension_numbers = #tpu.dot_dimension_numbers<[1], [0], [0], [1], [0, 0, 1, 1], [], []>, transpose_lhs_hint = false} : vector<80x128xf32>, vector<128x128xf32>, vector<80x128xf32> -> vector<80x128xf32>
    %swap3A_183 = arith.constant 0 : index
    %swap3A_184 = arith.constant 13 : index
    %swap3A_185 = arith.constant 0 : index
    %swap3A_186 = vector.load %arg7[%swap3A_183, %swap3A_184, %swap3A_185] : memref<80x16x128xf32, #tpu.memory_space<vmem>>, vector<80x1x128xf32>
    %swap3A_187 = vector.shape_cast %swap3A_186 : vector<80x1x128xf32> to vector<80x128xf32>
    %swap3A_188 = vector.shape_cast %dot_general3A_182 : vector<80x128xf32> to vector<80x1x128xf32>
    tpu.vector_store %arg7[%swap3A_183, %swap3A_184, %swap3A_185], %swap3A_188 {strides = array<i32>} : memref<80x16x128xf32, #tpu.memory_space<vmem>>, vector<80x1x128xf32>,
    %get3A_189 = arith.constant 14 : index
    %get3A_190 = arith.constant 0 : index
    %get3A_191 = arith.constant 0 : index
    %get3A_192 = vector.load %arg4[%get3A_189, %get3A_190, %get3A_191] : memref<16x128x128xf32, #tpu.memory_space<vmem>>, vector<1x128x128xf32>
    %get3A_193 = vector.shape_cast %get3A_192 : vector<1x128x128xf32> to vector<128x128xf32>
    %dot_general3A_194 = arith.constant dense<0.000000e+00> : vector<80x128xf32>
    %dot_general3A_195 = tpu.matmul %add3A, %get3A_193, %dot_general3A_194 {dimension_numbers = #tpu.dot_dimension_numbers<[1], [0], [0], [1], [0, 0, 1, 1], [], []>, transpose_lhs_hint = false} : vector<80x128xf32>, vector<128x128xf32>, vector<80x128xf32> -> vector<80x128xf32>
    %swap3A_196 = arith.constant 0 : index
    %swap3A_197 = arith.constant 14 : index
    %swap3A_198 = arith.constant 0 : index
    %swap3A_199 = vector.load %arg7[%swap3A_196, %swap3A_197, %swap3A_198] : memref<80x16x128xf32, #tpu.memory_space<vmem>>, vector<80x1x128xf32>
    %swap3A_200 = vector.shape_cast %swap3A_199 : vector<80x1x128xf32> to vector<80x128xf32>
    %swap3A_201 = vector.shape_cast %dot_general3A_195 : vector<80x128xf32> to vector<80x1x128xf32>
    tpu.vector_store %arg7[%swap3A_196, %swap3A_197, %swap3A_198], %swap3A_201 {strides = array<i32>} : memref<80x16x128xf32, #tpu.memory_space<vmem>>, vector<80x1x128xf32>,
    %get3A_202 = arith.constant 15 : index
    %get3A_203 = arith.constant 0 : index
    %get3A_204 = arith.constant 0 : index
    %get3A_205 = vector.load %arg4[%get3A_202, %get3A_203, %get3A_204] : memref<16x128x128xf32, #tpu.memory_space<vmem>>, vector<1x128x128xf32>
    %get3A_206 = vector.shape_cast %get3A_205 : vector<1x128x128xf32> to vector<128x128xf32>
    %dot_general3A_207 = arith.constant dense<0.000000e+00> : vector<80x128xf32>
    %dot_general3A_208 = tpu.matmul %add3A, %get3A_206, %dot_general3A_207 {dimension_numbers = #tpu.dot_dimension_numbers<[1], [0], [0], [1], [0, 0, 1, 1], [], []>, transpose_lhs_hint = false} : vector<80x128xf32>, vector<128x128xf32>, vector<80x128xf32> -> vector<80x128xf32>
    %swap3A_209 = arith.constant 0 : index
    %swap3A_210 = arith.constant 15 : index
    %swap3A_211 = arith.constant 0 : index
    %swap3A_212 = vector.load %arg7[%swap3A_209, %swap3A_210, %swap3A_211] : memref<80x16x128xf32, #tpu.memory_space<vmem>>, vector<80x1x128xf32>
    %swap3A_213 = vector.shape_cast %swap3A_212 : vector<80x1x128xf32> to vector<80x128xf32>
    %swap3A_214 = vector.shape_cast %dot_general3A_208 : vector<80x128xf32> to vector<80x1x128xf32>
    tpu.vector_store %arg7[%swap3A_209, %swap3A_210, %swap3A_211], %swap3A_214 {strides = array<i32>} : memref<80x16x128xf32, #tpu.memory_space<vmem>>, vector<80x1x128xf32>,
    %get3A_215 = arith.constant 0 : index
    %get3A_216 = arith.constant 0 : index
    %get3A_217 = arith.constant 0 : index
    %get3A_218 = vector.load %arg7[%get3A_215, %get3A_216, %get3A_217] : memref<80x16x128xf32, #tpu.memory_space<vmem>>, vector<80x16x128xf32>
    %add3A_219 = arith.constant 1.000000e+00 : f32
    %add3A_220 = vector.broadcast %add3A_219 : f32 to vector<80x16x128xf32>
    %add3A_221 = arith.addf %add3A_220, %get3A_218 : vector<80x16x128xf32>
    %rsqrt3A = math.rsqrt %add3A_221 : vector<80x16x128xf32>
    %swap3A_222 = arith.constant 0 : index
    %swap3A_223 = arith.constant 0 : index
    %swap3A_224 = arith.constant 0 : index
    %swap3A_225 = vector.load %arg6[%swap3A_222, %swap3A_223, %swap3A_224] : memref<80x16x128xf32, #tpu.memory_space<vmem>>, vector<80x16x128xf32>
    tpu.vector_store %arg6[%swap3A_222, %swap3A_223, %swap3A_224], %rsqrt3A {strides = array<i32>} : memref<80x16x128xf32, #tpu.memory_space<vmem>>, vector<80x16x128xf32>,
    %reshape3A = vector.shape_cast %rsqrt3A : vector<80x16x128xf32> to vector<1280x128xf32>
    %broadcast_in_dim3A = arith.constant 0.000000e+00 : f32
    %broadcast_in_dim3A_226 = vector.broadcast %broadcast_in_dim3A : f32 to vector<30x128xf32>
    %swap3A_227 = arith.constant 1250 : index
    %swap3A_228 = arith.constant 0 : index
    %swap3A_229 = vector.load %arg5[%swap3A_227, %swap3A_228] : memref<1280x128xf32, #tpu.memory_space<vmem>>, vector<30x128xf32>
    tpu.vector_store %arg5[%swap3A_227, %swap3A_228], %broadcast_in_dim3A_226 {strides = array<i32>} : memref<1280x128xf32, #tpu.memory_space<vmem>>, vector<30x128xf32>,
    %get3A_230 = arith.constant 0 : index
    %get3A_231 = arith.constant 0 : index
    %get3A_232 = arith.constant 0 : index
    %get3A_233 = vector.load %arg1[%get3A_230, %get3A_231, %get3A_232] : memref<1250x8x128xf32, #tpu.memory_space<vmem>>, vector<1250x1x128xf32>
    %get3A_234 = vector.shape_cast %get3A_233 : vector<1250x1x128xf32> to vector<1250x128xf32>
    %get3A_235 = arith.constant 0 : index
    %get3A_236 = arith.constant 0 : index
    %get3A_237 = vector.load %arg2[%get3A_235, %get3A_236] : memref<128x16xf32, #tpu.memory_space<vmem>>, vector<128x16xf32>
    %dot_general3A_238 = arith.constant dense<0.000000e+00> : vector<1250x16xf32>
    %dot_general3A_239 = tpu.matmul %get3A_234, %get3A_237, %dot_general3A_238 {dimension_numbers = #tpu.dot_dimension_numbers<[1], [0], [0], [1], [0, 0, 1, 1], [], []>, transpose_lhs_hint = false} : vector<1250x128xf32>, vector<128x16xf32>, vector<1250x16xf32> -> vector<1250x16xf32>
    %slice3A = vector.extract_strided_slice %reshape3A {offsets = [0, 0], sizes = [1250, 16], strides = [1, 1]} : vector<1280x128xf32> to vector<1250x16xf32>
    %mul3A = arith.mulf %dot_general3A_239, %slice3A : vector<1250x16xf32>
    %swap3A_240 = arith.constant 0 : index
    %swap3A_241 = arith.constant 0 : index
    %swap3A_242 = vector.load %arg5[%swap3A_240, %swap3A_241] : memref<1280x128xf32, #tpu.memory_space<vmem>>, vector<1250x16xf32>
    tpu.vector_store %arg5[%swap3A_240, %swap3A_241], %mul3A {strides = array<i32>} : memref<1280x128xf32, #tpu.memory_space<vmem>>, vector<1250x16xf32>,
    %get3A_243 = arith.constant 0 : index
    %get3A_244 = arith.constant 1 : index
    %get3A_245 = arith.constant 0 : index
    %get3A_246 = vector.load %arg1[%get3A_243, %get3A_244, %get3A_245] : memref<1250x8x128xf32, #tpu.memory_space<vmem>>, vector<1250x1x128xf32>
    %get3A_247 = vector.shape_cast %get3A_246 : vector<1250x1x128xf32> to vector<1250x128xf32>
    %get3A_248 = arith.constant 0 : index
    %get3A_249 = arith.constant 0 : index
    %get3A_250 = vector.load %arg2[%get3A_248, %get3A_249] : memref<128x16xf32, #tpu.memory_space<vmem>>, vector<128x16xf32>
    %dot_general3A_251 = arith.constant dense<0.000000e+00> : vector<1250x16xf32>
    %dot_general3A_252 = tpu.matmul %get3A_247, %get3A_250, %dot_general3A_251 {dimension_numbers = #tpu.dot_dimension_numbers<[1], [0], [0], [1], [0, 0, 1, 1], [], []>, transpose_lhs_hint = false} : vector<1250x128xf32>, vector<128x16xf32>, vector<1250x16xf32> -> vector<1250x16xf32>
    %slice3A_253 = vector.extract_strided_slice %reshape3A {offsets = [0, 16], sizes = [1250, 16], strides = [1, 1]} : vector<1280x128xf32> to vector<1250x16xf32>
    %mul3A_254 = arith.mulf %dot_general3A_252, %slice3A_253 : vector<1250x16xf32>
    %swap3A_255 = arith.constant 0 : index
    %swap3A_256 = arith.constant 16 : index
    %swap3A_257 = vector.load %arg5[%swap3A_255, %swap3A_256] : memref<1280x128xf32, #tpu.memory_space<vmem>>, vector<1250x16xf32>
    tpu.vector_store %arg5[%swap3A_255, %swap3A_256], %mul3A_254 {strides = array<i32>} : memref<1280x128xf32, #tpu.memory_space<vmem>>, vector<1250x16xf32>,
    %get3A_258 = arith.constant 0 : index
    %get3A_259 = arith.constant 2 : index
    %get3A_260 = arith.constant 0 : index
    %get3A_261 = vector.load %arg1[%get3A_258, %get3A_259, %get3A_260] : memref<1250x8x128xf32, #tpu.memory_space<vmem>>, vector<1250x1x128xf32>
    %get3A_262 = vector.shape_cast %get3A_261 : vector<1250x1x128xf32> to vector<1250x128xf32>
    %get3A_263 = arith.constant 0 : index
    %get3A_264 = arith.constant 0 : index
    %get3A_265 = vector.load %arg2[%get3A_263, %get3A_264] : memref<128x16xf32, #tpu.memory_space<vmem>>, vector<128x16xf32>
    %dot_general3A_266 = arith.constant dense<0.000000e+00> : vector<1250x16xf32>
    %dot_general3A_267 = tpu.matmul %get3A_262, %get3A_265, %dot_general3A_266 {dimension_numbers = #tpu.dot_dimension_numbers<[1], [0], [0], [1], [0, 0, 1, 1], [], []>, transpose_lhs_hint = false} : vector<1250x128xf32>, vector<128x16xf32>, vector<1250x16xf32> -> vector<1250x16xf32>
    %slice3A_268 = vector.extract_strided_slice %reshape3A {offsets = [0, 32], sizes = [1250, 16], strides = [1, 1]} : vector<1280x128xf32> to vector<1250x16xf32>
    %mul3A_269 = arith.mulf %dot_general3A_267, %slice3A_268 : vector<1250x16xf32>
    %swap3A_270 = arith.constant 0 : index
    %swap3A_271 = arith.constant 32 : index
    %swap3A_272 = vector.load %arg5[%swap3A_270, %swap3A_271] : memref<1280x128xf32, #tpu.memory_space<vmem>>, vector<1250x16xf32>
    tpu.vector_store %arg5[%swap3A_270, %swap3A_271], %mul3A_269 {strides = array<i32>} : memref<1280x128xf32, #tpu.memory_space<vmem>>, vector<1250x16xf32>,
    %get3A_273 = arith.constant 0 : index
    %get3A_274 = arith.constant 3 : index
    %get3A_275 = arith.constant 0 : index
    %get3A_276 = vector.load %arg1[%get3A_273, %get3A_274, %get3A_275] : memref<1250x8x128xf32, #tpu.memory_space<vmem>>, vector<1250x1x128xf32>
    %get3A_277 = vector.shape_cast %get3A_276 : vector<1250x1x128xf32> to vector<1250x128xf32>
    %get3A_278 = arith.constant 0 : index
    %get3A_279 = arith.constant 0 : index
    %get3A_280 = vector.load %arg2[%get3A_278, %get3A_279] : memref<128x16xf32, #tpu.memory_space<vmem>>, vector<128x16xf32>
    %dot_general3A_281 = arith.constant dense<0.000000e+00> : vector<1250x16xf32>
    %dot_general3A_282 = tpu.matmul %get3A_277, %get3A_280, %dot_general3A_281 {dimension_numbers = #tpu.dot_dimension_numbers<[1], [0], [0], [1], [0, 0, 1, 1], [], []>, transpose_lhs_hint = false} : vector<1250x128xf32>, vector<128x16xf32>, vector<1250x16xf32> -> vector<1250x16xf32>
    %slice3A_283 = vector.extract_strided_slice %reshape3A {offsets = [0, 48], sizes = [1250, 16], strides = [1, 1]} : vector<1280x128xf32> to vector<1250x16xf32>
    %mul3A_284 = arith.mulf %dot_general3A_282, %slice3A_283 : vector<1250x16xf32>
    %swap3A_285 = arith.constant 0 : index
    %swap3A_286 = arith.constant 48 : index
    %swap3A_287 = vector.load %arg5[%swap3A_285, %swap3A_286] : memref<1280x128xf32, #tpu.memory_space<vmem>>, vector<1250x16xf32>
    tpu.vector_store %arg5[%swap3A_285, %swap3A_286], %mul3A_284 {strides = array<i32>} : memref<1280x128xf32, #tpu.memory_space<vmem>>, vector<1250x16xf32>,
    %get3A_288 = arith.constant 0 : index
    %get3A_289 = arith.constant 4 : index
    %get3A_290 = arith.constant 0 : index
    %get3A_291 = vector.load %arg1[%get3A_288, %get3A_289, %get3A_290] : memref<1250x8x128xf32, #tpu.memory_space<vmem>>, vector<1250x1x128xf32>
    %get3A_292 = vector.shape_cast %get3A_291 : vector<1250x1x128xf32> to vector<1250x128xf32>
    %get3A_293 = arith.constant 0 : index
    %get3A_294 = arith.constant 0 : index
    %get3A_295 = vector.load %arg2[%get3A_293, %get3A_294] : memref<128x16xf32, #tpu.memory_space<vmem>>, vector<128x16xf32>
    %dot_general3A_296 = arith.constant dense<0.000000e+00> : vector<1250x16xf32>
    %dot_general3A_297 = tpu.matmul %get3A_292, %get3A_295, %dot_general3A_296 {dimension_numbers = #tpu.dot_dimension_numbers<[1], [0], [0], [1], [0, 0, 1, 1], [], []>, transpose_lhs_hint = false} : vector<1250x128xf32>, vector<128x16xf32>, vector<1250x16xf32> -> vector<1250x16xf32>
    %slice3A_298 = vector.extract_strided_slice %reshape3A {offsets = [0, 64], sizes = [1250, 16], strides = [1, 1]} : vector<1280x128xf32> to vector<1250x16xf32>
    %mul3A_299 = arith.mulf %dot_general3A_297, %slice3A_298 : vector<1250x16xf32>
    %swap3A_300 = arith.constant 0 : index
    %swap3A_301 = arith.constant 64 : index
    %swap3A_302 = vector.load %arg5[%swap3A_300, %swap3A_301] : memref<1280x128xf32, #tpu.memory_space<vmem>>, vector<1250x16xf32>
    tpu.vector_store %arg5[%swap3A_300, %swap3A_301], %mul3A_299 {strides = array<i32>} : memref<1280x128xf32, #tpu.memory_space<vmem>>, vector<1250x16xf32>,
    %get3A_303 = arith.constant 0 : index
    %get3A_304 = arith.constant 5 : index
    %get3A_305 = arith.constant 0 : index
    %get3A_306 = vector.load %arg1[%get3A_303, %get3A_304, %get3A_305] : memref<1250x8x128xf32, #tpu.memory_space<vmem>>, vector<1250x1x128xf32>
    %get3A_307 = vector.shape_cast %get3A_306 : vector<1250x1x128xf32> to vector<1250x128xf32>
    %get3A_308 = arith.constant 0 : index
    %get3A_309 = arith.constant 0 : index
    %get3A_310 = vector.load %arg2[%get3A_308, %get3A_309] : memref<128x16xf32, #tpu.memory_space<vmem>>, vector<128x16xf32>
    %dot_general3A_311 = arith.constant dense<0.000000e+00> : vector<1250x16xf32>
    %dot_general3A_312 = tpu.matmul %get3A_307, %get3A_310, %dot_general3A_311 {dimension_numbers = #tpu.dot_dimension_numbers<[1], [0], [0], [1], [0, 0, 1, 1], [], []>, transpose_lhs_hint = false} : vector<1250x128xf32>, vector<128x16xf32>, vector<1250x16xf32> -> vector<1250x16xf32>
    %slice3A_313 = vector.extract_strided_slice %reshape3A {offsets = [0, 80], sizes = [1250, 16], strides = [1, 1]} : vector<1280x128xf32> to vector<1250x16xf32>
    %mul3A_314 = arith.mulf %dot_general3A_312, %slice3A_313 : vector<1250x16xf32>
    %swap3A_315 = arith.constant 0 : index
    %swap3A_316 = arith.constant 80 : index
    %swap3A_317 = vector.load %arg5[%swap3A_315, %swap3A_316] : memref<1280x128xf32, #tpu.memory_space<vmem>>, vector<1250x16xf32>
    tpu.vector_store %arg5[%swap3A_315, %swap3A_316], %mul3A_314 {strides = array<i32>} : memref<1280x128xf32, #tpu.memory_space<vmem>>, vector<1250x16xf32>,
    %get3A_318 = arith.constant 0 : index
    %get3A_319 = arith.constant 6 : index
    %get3A_320 = arith.constant 0 : index
    %get3A_321 = vector.load %arg1[%get3A_318, %get3A_319, %get3A_320] : memref<1250x8x128xf32, #tpu.memory_space<vmem>>, vector<1250x1x128xf32>
    %get3A_322 = vector.shape_cast %get3A_321 : vector<1250x1x128xf32> to vector<1250x128xf32>
    %get3A_323 = arith.constant 0 : index
    %get3A_324 = arith.constant 0 : index
    %get3A_325 = vector.load %arg2[%get3A_323, %get3A_324] : memref<128x16xf32, #tpu.memory_space<vmem>>, vector<128x16xf32>
    %dot_general3A_326 = arith.constant dense<0.000000e+00> : vector<1250x16xf32>
    %dot_general3A_327 = tpu.matmul %get3A_322, %get3A_325, %dot_general3A_326 {dimension_numbers = #tpu.dot_dimension_numbers<[1], [0], [0], [1], [0, 0, 1, 1], [], []>, transpose_lhs_hint = false} : vector<1250x128xf32>, vector<128x16xf32>, vector<1250x16xf32> -> vector<1250x16xf32>
    %slice3A_328 = vector.extract_strided_slice %reshape3A {offsets = [0, 96], sizes = [1250, 16], strides = [1, 1]} : vector<1280x128xf32> to vector<1250x16xf32>
    %mul3A_329 = arith.mulf %dot_general3A_327, %slice3A_328 : vector<1250x16xf32>
    %swap3A_330 = arith.constant 0 : index
    %swap3A_331 = arith.constant 96 : index
    %swap3A_332 = vector.load %arg5[%swap3A_330, %swap3A_331] : memref<1280x128xf32, #tpu.memory_space<vmem>>, vector<1250x16xf32>
    tpu.vector_store %arg5[%swap3A_330, %swap3A_331], %mul3A_329 {strides = array<i32>} : memref<1280x128xf32, #tpu.memory_space<vmem>>, vector<1250x16xf32>,
    %get3A_333 = arith.constant 0 : index
    %get3A_334 = arith.constant 7 : index
    %get3A_335 = arith.constant 0 : index
    %get3A_336 = vector.load %arg1[%get3A_333, %get3A_334, %get3A_335] : memref<1250x8x128xf32, #tpu.memory_space<vmem>>, vector<1250x1x128xf32>
    %get3A_337 = vector.shape_cast %get3A_336 : vector<1250x1x128xf32> to vector<1250x128xf32>
    %get3A_338 = arith.constant 0 : index
    %get3A_339 = arith.constant 0 : index
    %get3A_340 = vector.load %arg2[%get3A_338, %get3A_339] : memref<128x16xf32, #tpu.memory_space<vmem>>, vector<128x16xf32>
    %dot_general3A_341 = arith.constant dense<0.000000e+00> : vector<1250x16xf32>
    %dot_general3A_342 = tpu.matmul %get3A_337, %get3A_340, %dot_general3A_341 {dimension_numbers = #tpu.dot_dimension_numbers<[1], [0], [0], [1], [0, 0, 1, 1], [], []>, transpose_lhs_hint = false} : vector<1250x128xf32>, vector<128x16xf32>, vector<1250x16xf32> -> vector<1250x16xf32>
    %slice3A_343 = vector.extract_strided_slice %reshape3A {offsets = [0, 112], sizes = [1250, 16], strides = [1, 1]} : vector<1280x128xf32> to vector<1250x16xf32>
    %mul3A_344 = arith.mulf %dot_general3A_342, %slice3A_343 : vector<1250x16xf32>
    %swap3A_345 = arith.constant 0 : index
    %swap3A_346 = arith.constant 112 : index
    %swap3A_347 = vector.load %arg5[%swap3A_345, %swap3A_346] : memref<1280x128xf32, #tpu.memory_space<vmem>>, vector<1250x16xf32>
    tpu.vector_store %arg5[%swap3A_345, %swap3A_346], %mul3A_344 {strides = array<i32>} : memref<1280x128xf32, #tpu.memory_space<vmem>>, vector<1250x16xf32>,
    return
  }
  func.func @transform_0(%arg0: i32) -> (i32, i32, i32) {
    %c0_i32 = arith.constant 0 : i32
    %c0_i32_0 = arith.constant 0 : i32
    %c0_i32_1 = arith.constant 0 : i32
    %c0_i32_2 = arith.constant 0 : i32
    return %c0_i32, %c0_i32_0, %c0_i32_1 : i32, i32, i32
  }
  func.func @transform_1(%arg0: i32) -> (i32, i32) {
    %c0_i32 = arith.constant 0 : i32
    %c0_i32_0 = arith.constant 0 : i32
    %c0_i32_1 = arith.constant 0 : i32
    return %c0_i32, %c0_i32_0 : i32, i32
  }
  func.func @transform_2(%arg0: i32) -> (i32, i32, i32) {
    %c0_i32 = arith.constant 0 : i32
    %c0_i32_0 = arith.constant 0 : i32
    %c0_i32_1 = arith.constant 0 : i32
    %c0_i32_2 = arith.constant 0 : i32
    return %c0_i32, %c0_i32_0, %c0_i32_1 : i32, i32, i32
  }
  func.func @transform_3(%arg0: i32) -> (i32, i32, i32) {
    %c0_i32 = arith.constant 0 : i32
    %c0_i32_0 = arith.constant 0 : i32
    %c0_i32_1 = arith.constant 0 : i32
    %c0_i32_2 = arith.constant 0 : i32
    return %c0_i32, %c0_i32_0, %c0_i32_1 : i32, i32, i32
  }
  func.func @transform_4(%arg0: i32) -> (i32, i32) {
    %c0_i32 = arith.constant 0 : i32
    %c0_i32_0 = arith.constant 0 : i32
    %c0_i32_1 = arith.constant 0 : i32
    return %c0_i32, %c0_i32_0 : i32, i32
  }
  func.func @transform_5(%arg0: i32) -> (i32, i32, i32) {
    %c0_i32 = arith.constant 0 : i32
    %c0_i32_0 = arith.constant 0 : i32
    %c0_i32_1 = arith.constant 0 : i32
    %c0_i32_2 = arith.constant 0 : i32
    return %c0_i32, %c0_i32_0, %c0_i32_1 : i32, i32, i32
  }
}

module attributes {stable_mosaic.version = 14 : i64} {
  func.func @_ep_body(%arg0: i32, %arg1: memref<2x1280x128xf32, #tpu.memory_space<vmem>>, %arg2: memref<1280x128xf32, #tpu.memory_space<vmem>>, %arg3: memref<1280x128xf32, #tpu.memory_space<vmem>>, %arg4: memref<1x128xf32, #tpu.memory_space<vmem>>, %arg5: memref<128x128xf32, #tpu.memory_space<vmem>>, %arg6: memref<1x128xf32, #tpu.memory_space<vmem>>, %arg7: memref<128x128xf32, #tpu.memory_space<vmem>>, %arg8: memref<1280x128xf32, #tpu.memory_space<vmem>>) attributes {dimension_semantics = [#tpu.dimension_semantics<arbitrary>], iteration_bounds = array<i64: 1>, scalar_prefetch = 0 : i64, scratch_operands = 0 : i64, tpu.core_type = #tpu.core_type<tc>, window_params = [{pipeline_mode = #tpu.pipeline_mode<synchronous>, transform_indices = @transform_0, window_bounds = array<i64: 2, 1280, 128>}, {pipeline_mode = #tpu.pipeline_mode<synchronous>, transform_indices = @transform_1, window_bounds = array<i64: 1280, 128>}, {pipeline_mode = #tpu.pipeline_mode<synchronous>, transform_indices = @transform_2, window_bounds = array<i64: 1280, 128>}, {pipeline_mode = #tpu.pipeline_mode<synchronous>, transform_indices = @transform_3, window_bounds = array<i64: 1, 128>}, {pipeline_mode = #tpu.pipeline_mode<synchronous>, transform_indices = @transform_4, window_bounds = array<i64: 128, 128>}, {pipeline_mode = #tpu.pipeline_mode<synchronous>, transform_indices = @transform_5, window_bounds = array<i64: 1, 128>}, {pipeline_mode = #tpu.pipeline_mode<synchronous>, transform_indices = @transform_6, window_bounds = array<i64: 128, 128>}, {pipeline_mode = #tpu.pipeline_mode<synchronous>, transform_indices = @transform_7, window_bounds = array<i64: 1280, 128>}]} {
    %get3A = arith.constant 0 : index
    %get3A_0 = arith.constant 0 : index
    %get3A_1 = arith.constant 0 : index
    %get3A_2 = vector.load %arg1[%get3A, %get3A_0, %get3A_1] : memref<2x1280x128xf32, #tpu.memory_space<vmem>>, vector<1x1280x128xf32>
    %get3A_3 = vector.shape_cast %get3A_2 : vector<1x1280x128xf32> to vector<1280x128xf32>
    %get3A_4 = arith.constant 1 : index
    %get3A_5 = arith.constant 0 : index
    %get3A_6 = arith.constant 0 : index
    %get3A_7 = vector.load %arg1[%get3A_4, %get3A_5, %get3A_6] : memref<2x1280x128xf32, #tpu.memory_space<vmem>>, vector<1x1280x128xf32>
    %get3A_8 = vector.shape_cast %get3A_7 : vector<1x1280x128xf32> to vector<1280x128xf32>
    %add3A = arith.addf %get3A_3, %get3A_8 : vector<1280x128xf32>
    %get3A_9 = arith.constant 0 : index
    %get3A_10 = arith.constant 0 : index
    %get3A_11 = vector.load %arg2[%get3A_9, %get3A_10] : memref<1280x128xf32, #tpu.memory_space<vmem>>, vector<1280x128xf32>
    %add3A_12 = arith.addf %add3A, %get3A_11 : vector<1280x128xf32>
    %get3A_13 = arith.constant 0 : index
    %get3A_14 = arith.constant 0 : index
    %get3A_15 = vector.load %arg3[%get3A_13, %get3A_14] : memref<1280x128xf32, #tpu.memory_space<vmem>>, vector<1280x128xf32>
    %mul3A = arith.mulf %get3A_15, %add3A_12 : vector<1280x128xf32>
    %get3A_16 = arith.constant 0 : index
    %get3A_17 = arith.constant 0 : index
    %get3A_18 = vector.load %arg4[%get3A_16, %get3A_17] : memref<1x128xf32, #tpu.memory_space<vmem>>, vector<1x128xf32>
    %add3A_19 = vector.broadcast %get3A_18 : vector<1x128xf32> to vector<1280x128xf32>
    %add3A_20 = arith.addf %mul3A, %add3A_19 : vector<1280x128xf32>
    %max3A = arith.constant 0.000000e+00 : f32
    %max3A_21 = vector.broadcast %max3A : f32 to vector<1280x128xf32>
    %max3A_22 = arith.maximumf %add3A_20, %max3A_21 : vector<1280x128xf32>
    %get3A_23 = arith.constant 0 : index
    %get3A_24 = arith.constant 0 : index
    %get3A_25 = vector.load %arg5[%get3A_23, %get3A_24] : memref<128x128xf32, #tpu.memory_space<vmem>>, vector<128x128xf32>
    %dot_general3A = arith.constant dense<0.000000e+00> : vector<1280x128xf32>
    %dot_general3A_26 = tpu.matmul %max3A_22, %get3A_25, %dot_general3A {dimension_numbers = #tpu.dot_dimension_numbers<[1], [0], [0], [1], [0, 0, 1, 1], [], []>, transpose_lhs_hint = false} : vector<1280x128xf32>, vector<128x128xf32>, vector<1280x128xf32> -> vector<1280x128xf32>
    %get3A_27 = arith.constant 0 : index
    %get3A_28 = arith.constant 0 : index
    %get3A_29 = vector.load %arg6[%get3A_27, %get3A_28] : memref<1x128xf32, #tpu.memory_space<vmem>>, vector<1x128xf32>
    %add3A_30 = vector.broadcast %get3A_29 : vector<1x128xf32> to vector<1280x128xf32>
    %add3A_31 = arith.addf %dot_general3A_26, %add3A_30 : vector<1280x128xf32>
    %exp3A = math.exp %add3A_31 : vector<1280x128xf32>
    %get3A_32 = arith.constant 0 : index
    %get3A_33 = arith.constant 0 : index
    %get3A_34 = vector.load %arg7[%get3A_32, %get3A_33] : memref<128x128xf32, #tpu.memory_space<vmem>>, vector<128x128xf32>
    %dot_general3A_35 = arith.constant dense<0.000000e+00> : vector<1280x128xf32>
    %dot_general3A_36 = tpu.matmul %exp3A, %get3A_34, %dot_general3A_35 {dimension_numbers = #tpu.dot_dimension_numbers<[1], [0], [0], [1], [0, 0, 1, 1], [], []>, transpose_lhs_hint = false} : vector<1280x128xf32>, vector<128x128xf32>, vector<1280x128xf32> -> vector<1280x128xf32>
    %log3A = math.log %dot_general3A_36 : vector<1280x128xf32>
    %sub3A = arith.subf %add3A_31, %log3A : vector<1280x128xf32>
    %swap3A = arith.constant 0 : index
    %swap3A_37 = arith.constant 0 : index
    %swap3A_38 = vector.load %arg8[%swap3A, %swap3A_37] : memref<1280x128xf32, #tpu.memory_space<vmem>>, vector<1280x128xf32>
    tpu.vector_store %arg8[%swap3A, %swap3A_37], %sub3A {strides = array<i32>} : memref<1280x128xf32, #tpu.memory_space<vmem>>, vector<1280x128xf32>,
    return
  }
  func.func @transform_0(%arg0: i32) -> (i32, i32, i32) {
    %c0_i32 = arith.constant 0 : i32
    %c0_i32_0 = arith.constant 0 : i32
    %c0_i32_1 = arith.constant 0 : i32
    %c0_i32_2 = arith.constant 0 : i32
    return %c0_i32, %c0_i32_0, %c0_i32_1 : i32, i32, i32
  }
  func.func @transform_1(%arg0: i32) -> (i32, i32) {
    %c0_i32 = arith.constant 0 : i32
    %c0_i32_0 = arith.constant 0 : i32
    %c0_i32_1 = arith.constant 0 : i32
    return %c0_i32, %c0_i32_0 : i32, i32
  }
  func.func @transform_2(%arg0: i32) -> (i32, i32) {
    %c0_i32 = arith.constant 0 : i32
    %c0_i32_0 = arith.constant 0 : i32
    %c0_i32_1 = arith.constant 0 : i32
    return %c0_i32, %c0_i32_0 : i32, i32
  }
  func.func @transform_3(%arg0: i32) -> (i32, i32) {
    %c0_i32 = arith.constant 0 : i32
    %c0_i32_0 = arith.constant 0 : i32
    %c0_i32_1 = arith.constant 0 : i32
    return %c0_i32, %c0_i32_0 : i32, i32
  }
  func.func @transform_4(%arg0: i32) -> (i32, i32) {
    %c0_i32 = arith.constant 0 : i32
    %c0_i32_0 = arith.constant 0 : i32
    %c0_i32_1 = arith.constant 0 : i32
    return %c0_i32, %c0_i32_0 : i32, i32
  }
  func.func @transform_5(%arg0: i32) -> (i32, i32) {
    %c0_i32 = arith.constant 0 : i32
    %c0_i32_0 = arith.constant 0 : i32
    %c0_i32_1 = arith.constant 0 : i32
    return %c0_i32, %c0_i32_0 : i32, i32
  }
  func.func @transform_6(%arg0: i32) -> (i32, i32) {
    %c0_i32 = arith.constant 0 : i32
    %c0_i32_0 = arith.constant 0 : i32
    %c0_i32_1 = arith.constant 0 : i32
    return %c0_i32, %c0_i32_0 : i32, i32
  }
  func.func @transform_7(%arg0: i32) -> (i32, i32) {
    %c0_i32 = arith.constant 0 : i32
    %c0_i32_0 = arith.constant 0 : i32
    %c0_i32_1 = arith.constant 0 : i32
    return %c0_i32, %c0_i32_0 : i32, i32
  }
}

</mosaic_0001>

<sc_bundles>
// kernel: kernel.6.cloned.1.call-start
scs
__scs_entry_jumppad:
0x0: {  	(pc) =	sbr.rel $0x88, $3  }
0x1: {  	(tag) =	ssettag $0x0;
	lr =	simm.s32 $0x1  }
0x2: {  	[smem:$0x3F9B] =	sst lr;
	_ =	strace $0xD0000000  }
0x3: {  	_ = 	snop  }
0x4: {  	_ = 	snop  }
0x5: {  	_ = 	snop  }
0x6: {  	_ = 	snop  }
0x7: {  	_ = 	snop  }
__scs_overlays_trampoline_lowered:
0x8: {  	[smem:$0x3FAA] =	sst s0  }
0x9: {  	[smem:$0x3FAB] =	sst s1  }
0xa: {  	[smem:$0x3FAC] =	sst s2  }
0xb: {  	[smem:$0x3FAD] =	sst s3  }
0xc: {  	[smem:$0x3FAE] =	sst s4  }
0xd: {  	[smem:$0x3FAF] =	sst s5  }
0xe: {  	[smem:$0x3FB0] =	sst s6  }
0xf: {  	[smem:$0x3FB1] =	sst s7  }
0x10: {  	[smem:$0x3FB2] =	sst s8  }
0x11: {  	[smem:$0x3FB3] =	sst s9;
	s0 =	simm.s32 @!p0 $0x0  }
0x12: {  	s1 =	sld [smem:$0x3F99];
	s0 =	simm.s32 @p0 $0x1  }
0x13: {  	[smem:$0x3FB4] =	sst s0;
	s0 =	simm.s32 @!p1 $0x0  }
0x14: {  	s2 =	sld [smem:$0x3F98];
	s0 =	simm.s32 @p1 $0x1  }
0x15: {  	[smem:$0x3FB5] =	sst s0;
	s0 =	simm.s32 @!p2 $0x0  }
0x16: {  	s3 =	sld [smem:$0x3FDB];
	s0 =	simm.s32 @p2 $0x1  }
0x17: {  	s4 =	simm.s32 $0x1BF5;
	[smem:$0x3FB7] =	sst s0  }
0x18: {  	s0 =	sld [smem:$0x3F9A];
	_ =	swait.ge [sflag:s4], $0x0  }
0x19: {  	s7 =	sld [smem:$0x3F9B]  }
0x1a: {  	s8 =	sadd.s32 $0xFFFFE003, lr  }
0x1b: {  	s9 =	sadd.s32 $0xFFFFFEF7, lr;
	s5 =	simm.s32 $0xFFFFFFFF;
	p2 =	slt.u32 s8, $0xFFFFF086  }
0x1c: {  	p1 =	slt.u32 s9, $0xF7A;
	s5 =	simm.s32 @!p2 $0x0  }
0x1d: {  	s5 =	simm.s32 @p1 $0x1;
	p0 =	seq.s32 s7, s2  }
0x1e: {  	s7 =	smul.u32 @!p0 $0xF7A, s2;
	p2 =	seq.s32 @!p0 s5, $0x0  }
0x1f: {  	s9 =	smul.u32 $0xF7A, s1;
	s8 =	simm.s32 @!p0 $0x1BF5;
	p2 =	por !p2, p0  }
0x20: {  	[sflag:s8] =	ssyncset.s32 @!p0 $0xFFFFF086;
	s6 =	sadd.s32 @!p0 s3, s7;
	s7 =	simm.s32 @!p0 $0x108  }
0x21: {  	s3 =	sadd.s32 s3, s9;
	s6 =	sadd.s32 @!p0 $0x88, s6;
	s7 =	simm.s32 @p2 $0x1082  }
0x22: {  	[simem:s7], [sflag:s8] =	dma.local @!p0 [hbm:s6], $0xF7A  }
0x23: {  	s9 =	sor.u32 $0xD0000000, s2;
	s6 =	simm.s32 $0x108;
	_ =	swait.ge @!p0 [sflag:s8], $0x0  }
0x24: {  	s3 =	sadd.s32 $0x88, s3;
	s6 =	simm.s32 @!p1 $0x1082;
	[sflag:s4] =	ssyncset.s32 $0xFFFFF086  }
0x25: {  	[simem:s6], [sflag:s4] =	dma.local [hbm:s3], $0xF7A  }
0x26: {  	[smem:$0x3F9B] =	sst s1;
	(tag) =	ssettag s2;
	_ =	strace s9  }
0x27: {  	s1 =	sld [smem:$0x3FAB]  }
0x28: {  	s2 =	sld [smem:$0x3FAC]  }
0x29: {  	s4 =	sld [smem:$0x3FAE]  }
0x2a: {  	p0 =	seq.s32 s5, $0x0;
	s5 =	sld [smem:$0x3FAF]  }
0x2b: {  	s6 =	sld [smem:$0x3FB0]  }
0x2c: {  	s7 =	sld [smem:$0x3FB1]  }
0x2d: {  	s3 =	simm.s32 $0x108;
	s8 =	sld [smem:$0x3FB2]  }
0x2e: {  	s3 =	simm.s32 @!p0 $0x1082;
	s9 =	sld [smem:$0x3FB3]  }
0x2f: {  	lr =	sadd.s32 s0, s3;
	s0 =	sld [smem:$0x3FAA]  }
0x30: {  	s3 =	sld [smem:$0x3FAD]  }
0x31: {  	[smem:$0x3FB6] =	sst s10  }
0x32: {  	s10 =	sld [smem:$0x3FB4];
	_ =	sdelay $0x3  }
0x33: {  	p0 =	seq.s32 s10, $0x1;
	s10 =	sld [smem:$0x3FB6];
	_ =	sdelay $0x3  }
0x34: {  	[smem:$0x3FB6] =	sst s10  }
0x35: {  	s10 =	sld [smem:$0x3FB5];
	_ =	sdelay $0x3  }
0x36: {  	p1 =	seq.s32 s10, $0x1;
	s10 =	sld [smem:$0x3FB6];
	_ =	sdelay $0x3  }
0x37: {  	[smem:$0x3FB6] =	sst s10  }
0x38: {  	s10 =	sld [smem:$0x3FB7]  }
0x39: {  	_ = 	snop;
	(pc) =	sbr.ind lr, $3  }
0x3a: {  	_ = 	snop  }
0x3b: {  	_ = 	snop  }
0x3c: {  	p2 =	seq.s32 s10, $0x1;
	s10 =	sld [smem:$0x3FB6]  }
0x3d: {  	_ =	shalt  }
0x3e: {  	_ =	shalt  }
0x3f: {  	_ =	shalt  }
0x40: {  	_ =	shalt  }
0x41: {  	_ =	shalt  }
0x42: {  	_ =	shalt  }
0x43: {  	_ =	shalt  }
0x44: {  	_ =	shalt  }
0x45: {  	_ =	shalt  }
0x46: {  	_ =	shalt  }
0x47: {  	_ =	shalt  }
0x48: {  	_ =	shalt  }
0x49: {  	_ =	shalt  }
0x4a: {  	_ =	shalt  }
0x4b: {  	_ =	shalt  }
0x4c: {  	_ =	shalt  }
0x4d: {  	_ =	shalt  }
0x4e: {  	_ =	shalt  }
0x4f: {  	_ =	shalt  }
0x50: {  	_ =	shalt  }
0x51: {  	_ =	shalt  }
0x52: {  	_ =	shalt  }
0x53: {  	_ =	shalt  }
0x54: {  	_ =	shalt  }
0x55: {  	_ =	shalt  }
0x56: {  	_ =	shalt  }
0x57: {  	_ =	shalt  }
0x58: {  	_ =	shalt  }
0x59: {  	_ =	shalt  }
0x5a: {  	_ =	shalt  }
0x5b: {  	_ =	shalt  }
0x5c: {  	_ =	shalt  }
0x5d: {  	_ =	shalt  }
0x5e: {  	_ =	shalt  }
0x5f: {  	_ =	shalt  }
0x60: {  	_ =	shalt  }
0x61: {  	_ =	shalt  }
0x62: {  	_ =	shalt  }
0x63: {  	_ =	shalt  }
0x64: {  	_ =	shalt  }
0x65: {  	_ =	shalt  }
0x66: {  	_ =	shalt  }
0x67: {  	_ =	shalt  }
0x68: {  	_ =	shalt  }
0x69: {  	_ =	shalt  }
0x6a: {  	_ =	shalt  }
0x6b: {  	_ =	shalt  }
0x6c: {  	_ =	shalt  }
0x6d: {  	_ =	shalt  }
0x6e: {  	_ =	shalt  }
0x6f: {  	_ =	shalt  }
0x70: {  	_ =	shalt  }
0x71: {  	_ =	shalt  }
0x72: {  	_ =	shalt  }
0x73: {  	_ =	shalt  }
0x74: {  	_ =	shalt  }
0x75: {  	_ =	shalt  }
0x76: {  	_ =	shalt  }
0x77: {  	_ =	shalt  }
0x78: {  	_ =	shalt  }
0x79: {  	_ =	shalt  }
0x7a: {  	_ =	shalt  }
0x7b: {  	_ =	shalt  }
0x7c: {  	_ =	shalt  }
0x7d: {  	_ =	shalt  }
0x7e: {  	_ =	shalt  }
0x7f: {  	_ =	shalt  }
0x80: {  	_ =	shalt  }
0x81: {  	_ =	shalt  }
0x82: {  	_ =	shalt  }
0x83: {  	_ =	shalt  }
0x84: {  	_ =	shalt  }
0x85: {  	_ =	shalt  }
0x86: {  	_ =	shalt  }
0x87: {  	_ =	shalt  }
.Lfunc_end0:
.L_simem_size_0:
called_computation_lowered:
.L_overlay_start_0:
0x88: {  	s2 =	sld [smem:$0x3FD9]  }
0x89: {  	s3 =	sld [smem:$0x3FFE];
	_ =	sdelay $0x1  }
0x8a: {  	s1 =	srdreg.scid  }
0x8b: {  	s0 =	sand.u32 $0x1, s1  }
0x8c: {  	s17 =	sshll.u32 s0, $0xA;
	s2 =	sadd.s32 s3, s2  }
0x8d: {  	s2 =	sadd.s32 s2, s17  }
0x8e: {  	[smem:$0x3FC2] =	sst s2  }
0x8f: {  	_ = 	snop  }
0x90: {  	s2 =	sld [smem:$0x3FD0];
	(tm) =	ssettm $0x1  }
0x91: {  	s18 =	sld [smem:$0x3FFB];
	_ =	sdelay $0x3  }
0x92: {  	_ =	strace s18  }
0x93: {  	s3 =	sld [smem:$0x3FFC];
	_ =	sdelay $0x3  }
0x94: {  	_ =	strace s3  }
0x95: {  	s3 =	sld [smem:$0x3FFD];
	_ =	sdelay $0x3  }
0x96: {  	_ =	strace s3  }
0x97: {  	_ =	strace $0x8FFFFFFF  }
0x98: {  	s19 =	sld [smem:$0x3FDB];
	_ =	sdelay $0x1  }
0x99: {  	s4 =	simm.s32 $_scs_section_size  }
0x9a: {  	s5 =	simm.s32 $_size__tile_overlayer_lowered;
	s6 =	simm.s32 $_tile_overlayer_lowered  }
0x9b: {  	s22 =	simm.s32 $0x1BFF;
	s21 =	sshll.u32 s6, $0x1;
	s3 =	sadd.s32 s4, s19  }
0x9c: {  	s7 =	simm.s32 $0x0;
	s20 =	sshll.u32 s5, $0x1;
	s5 =	sadd.s32 s21, s3  }
0x9d: {  	[timem:s7], [sflag:s22] =	dma.local [hbm:s5], s20  }
0x9e: {  	_ =	swait.ge [sflag:s22], s20  }
0x9f: {  	s4 =	ssub.s32 $0x0, s20;
	[sflag:s22] =	ssyncset.done $0x0  }
0xa0: {  	[sflag:s22] =	ssyncadd.s32 s4;
	_ =	sdelay $0x1  }
0xa1: {  	s23 =	simm.s32 $0x1B8B  }
0xa2: {  	_ =	swait.ge [sflag:s23], $0x1  }
0xa3: {  	[sflag:s23] =	ssyncset.done $0x0  }
0xa4: {  	s25 =	simm.s32 $0x1B8E;
	s24 =	sld [smem:$0x3FFE];
	[sflag:s23] =	ssyncadd.s32 $0xFFFFFFFF  }
0xa5: {  	s26 =	simm.s32 $execute0_lowered;
	[smem:$0x3FD2] =	sst s25  }
0xa6: {  	s5 =	sshll.u32 s26, $0x1;
	_ =	strace $0x80000046;
	[dreg:$0x1] =	wrdreg $0xFFFFFFFF  }
0xa7: {  	s28 =	simm.s32 $_size_execute0_lowered;
	s3 =	sadd.s32 s3, s5;
	[dreg:$0x0] =	wrdreg $0x0  }
0xa8: {  	s5 =	sshll.u32 s28, $0x1;
	[dreg:$0x2] =	wrdreg s3  }
0xa9: {  	[dreg:$0x3] =	wrdreg s5  }
0xaa: {  	[dreg:$0x4] =	wrdreg $0xC0  }
0xab: {  	_ =	task [dreg:s7], $0x5FFFF  }
0xac: {  	[dreg:$0x1] =	wrdreg $0xFFFFFFFF  }
0xad: {  	[dreg:$0x0] =	wrdreg $0x60  }
0xae: {  	[dreg:$0x2] =	wrdreg s24  }
0xaf: {  	[dreg:$0x3] =	wrdreg s2  }
0xb0: {  	[dreg:$0x4] =	wrdreg $0x28000  }
0xb1: {  	[dreg:$0x5] =	wrdreg $0x9  }
0xb2: {  	_ =	task.clear_ibuf [dreg:s7], $0x6FFFF;
	_ =	strace $0x90000046  }
0xb3: {  	s29 =	simm.s32 $0x9;
	_ =	strace $0x80000048  }
0xb4: {  	_ =	swait.ge [sflag:s29], $0x1  }
0xb5: {  	[sflag:s29] =	ssyncadd.s32 $0xFFFFFFFF  }
0xb6: {  	_ =	strace $0x90000048  }
0xb7: {  	_ =	sfence  }
0xb8: {  	s30 =	sld [smem:$0x0];
	_ =	sdelay $0x2  }
0xb9: {  	s31 =	sshll.u32 s1, $0xD;
	s1 =	sshrl.u32 s1, $0x2  }
0xba: {  	s3 =	sand.u32 $0x4000, s31;
	s1 =	sadd.s32 s1, s30  }
0xbb: {  	s0 =	sor.u32 s3, s0;
	s1 =	sshll.u32 s1, $0x11  }
0xbc: {  	s0 =	sor.u32 s1, s0  }
0xbd: {  	s0 =	sadd.s32 $0x8F2B, s0  }
0xbe: {  	[sflag:s0] =	ssyncadd.remote.s32 $0x1  }
0xbf: {  	_ =	sfence.sel $0xFFFF  }
0xc0: {  	[dreg:$0x0] =	wrdreg $0xFFFFFFFF;
	(pc) =	sbr.abs _section_cstart, $3  }
0xc1: {  	[dreg:$0x1] =	wrdreg $0xFFFFFFFF  }
0xc2: {  	_ =	task.clear_ibuf [dreg:s7], $0x2FFFF;
	_ =	strace $0x9FFFFFFF  }
0xc3: {  	(tm) =	ssettm $0x7FFFFFFF  }
tec
execute0_lowered:
.L_overlay_start_1:
0x0: {  	(tag) =	ssettag $0x1  }
0x1: {  	s4 =	rddreg [dreg:$0x0]  }
0x2: {  	s0 =	srdreg.scid;
	s5 =	rddreg [dreg:$0x1]  }
0x3: {  	s1 =	rddreg [dreg:$0x2];
	s6 =	stileid.u32;
	s2 =	simm.s32 $0x0  }
0x4: {  	s12 =	simm.s32 $0x10;
	s13 =	simm.s32 $0x2700;
	s14 =	simm.s32 $0x1  }
0x5: {  	s15 =	simm.s32 $0x0;
	s3 =	sand.u32 $0x1, s0;
	s0 =	rddreg [dreg:$0x3]  }
0x6: {  	[smem:$0x7FF] =	sst s2;
	s30 =	sshll.u32 s6, $0x7;
	s7 =	sshll.u32 s3, $0x4  }
0x7: {  	s31 =	sadd.s32 $0xC000, s4;
	p0 =	sne.s32 s6, $0x0;
	s8 =	sor.u32 s6, s7  }
0x8: {  	s9 =	ssub.s32 $0x2, s3;
	_ =	strace $0x80000047;
	s8 =	sshrl.u32 s8, $0x3  }
0x9: {  	s11 =	sand.u32 $0x380, s30;
	s3 =	sadd.s32 $0x15E00, s4;
	s8 =	smul.u32 $0x13C00, s8  }
0xa: {  	s10 =	sshrl.u32 s9, $0x1;
	s4 =	sadd.s32 s5, s7;
	s6 =	sshrl.u32 @!p0 s1, $0x3  }
0xb: {  	s9 =	ssub.s32 s9, s10;
	s10 =	simm.s32 $0x2;
	s8 =	sor.u32 s11, s8  }
0xc: {  	s5 =	smax.u32 s9, $0x1;
	s9 =	simm.s32 $0x400;
	s8 =	sshrl.u32 s8, $0x3  }
0xd: {  	v0 =	vimm.f32 $1.000000000e+00;
	s11 =	simm.s32 $0x2780;
	s7 =	sadd.s32 s8, s31;
	s8 =	simm.s32 $0x80  }
.LBB2_1:
0xe: {  	s16 =	simm.s32 @!p0 $0x1C02  }
0xf: {  	[spmem:s6], [sflag:s16] =	dma.local @!p0 [hbm:s3], $0x500  }
0x10: {  	s16 =	simm.s32 @!p0 $0x2  }
0x11: {  	_ =	swait.ge @!p0 [sflag:s16], $0x500  }
0x12: {  	[sflag:s16] =	ssyncset.done @!p0 $0x0  }
0x13: {  	[sflag:s16] =	ssyncadd.s32 @!p0 $0xFFFFFB00  }
0x14: {  	[tilespmem:s2], [sflag:$0x2] =	stream.strided.gather [hbm4b:s7+s8], $0x2780, s9, s8, $0x38;
	[tilespmem:$0x2A80] =	vst v63  }
0x15: {  	_ =	swait.ge [sflag:s10], $0x2780  }
0x16: {  	[sflag:s10] =	ssyncset.done $0x0  }
0x17: {  	[sflag:s10] =	ssyncadd.s32 $0xFFFFD880  }
0x18: {  	[tilespmem:$0x2780] =	vst v0  }
0x19: {  	[tilespmem:$0x2790] =	vst v0  }
0x1a: {  	[tilespmem:$0x27A0] =	vst v0  }
0x1b: {  	[tilespmem:$0x27B0] =	vst v0  }
0x1c: {  	[tilespmem:$0x27C0] =	vst v0  }
0x1d: {  	[tilespmem:$0x27D0] =	vst v0  }
0x1e: {  	[tilespmem:$0x27E0] =	vst v0  }
0x1f: {  	[tilespmem:$0x27F0] =	vst v0  }
0x20: {  	s17 =	simm.s32 $0x0;
	s16 =	simm.s32 $0x200;
	[bflag:$0x0] =	sbarrier.arrive $0xFFFF  }
.LBB2_2:
0x21: {  	[spmem:s1] =	stream.indirect.scatter.add.f32 [tilespmem:s11], [sflag:$0x1], $0x1, s17, s8, $0xb8;
	[tilespmem:$0x2A80] =	vst v63  }
0x22: {  	s17 =	smov.u32 s16;
	p1 =	sne.s32 s16, $0x9A00  }
.Ltmp0:
0x23: {  	s16 =	sadd.s32 $0x200, s16;
	(pc) =	sbr.rel @p1 .LBB2_2-.Ltmp0, $2  }
0x24: {  	_ =	sdelay $0x2  }
0x25: {  	s17 =	sshra.s32 s17, $0x2  }
0x26: {  	[spmem:s1] =	stream.indirect.scatter.add.f32 [tilespmem:s11], [sflag:$0x1], $0x1, s17, s8, $0xb8;
	[tilespmem:$0x2A80] =	vst v63  }
0x27: {  	_ = 	snop  }
0x28: {  	[spmem:s1] =	stream.indirect.scatter.add.f32 [tilespmem:s11], [sflag:$0x1], $0x1, s13, s12, $0xb8;
	[tilespmem:$0x2A80] =	vst v63  }
0x29: {  	_ =	swait.ge [sflag:s14], $0x80  }
0x2a: {  	s16 =	simm.s32 $0x4D;
	[sflag:s14] =	ssyncset.done $0x0  }
.LBB2_4:
0x2b: {  	p1 =	sne.s32 s16, $0x1;
	s16 =	sadd.s32 $0xFFFFFFFF, s16;
	[sflag:s14] =	ssyncadd.s32 $0xFFFFFF80  }
.Ltmp1:
0x2c: {  	(pc) =	sbr.rel @p1 .LBB2_4-.Ltmp1, $3  }
0x2d: {  	_ =	sdelay $0x1  }
0x2e: {  	_ =	swait.ge [sflag:s14], $0x80  }
0x2f: {  	[sflag:s14] =	ssyncset.done $0x0  }
0x30: {  	[sflag:s14] =	ssyncadd.s32 $0xFFFFFF80  }
0x31: {  	_ =	swait.ge [sflag:s14], $0x10  }
0x32: {  	s16 =	simm.s32 @!p0 $0x1;
	s17 =	simm.s32 @!p0 $0x20;
	[sflag:s14] =	ssyncset.done $0x0  }
0x33: {  	s18 =	simm.s32 @!p0 $0x10;
	s15 =	sadd.s32 $0x1, s15;
	[sflag:s14] =	ssyncadd.s32 $0xFFFFFFF0  }
0x34: {  	s19 =	simm.s32 @!p0 $0x1C02;
	p1 =	sne.s32 s15, s5;
	[bflag:$0x0] =	sbarrier.arrive $0xFFFF  }
0x35: {  	[hbm:s4@s17], [sflag:s19] =	dma.strided @!p0 [spmem:s6@s18], $0x500, s16, $0x10   }
.Ltmp2:
0x36: {  	_ = 	snop;
	(pc) =	sbr.rel @p1 .LBB2_1-.Ltmp2, $4  }
0x37: {  	s16 =	simm.s32 @!p0 $0x2  }
0x38: {  	_ =	swait.ge @!p0 [sflag:s16], $0x500  }
0x39: {  	[sflag:s16] =	ssyncset.done @!p0 $0x0  }
0x3a: {  	[sflag:s16] =	ssyncadd.s32 @!p0 $0xFFFFFB00  }
0x3b: {  	_ =	sfence.sel $0x180000  }
0x3c: {  	[bflag:$0x0] =	sbarrier.arrive $0xFFFF  }
0x3d: {  	_ =	strace $0x90000047  }
0x3e: {  	s0 =	sadd.s32 @!p0 $0x100000, s0;
	[bflag:$0x2] =	sbarrier.arrive $0xFFFF  }
0x3f: {  	[sflag:s0] =	ssyncadd.tile.s32 @!p0 $0x1;
	_ =	shalt  }
.Lfunc_end2:
_tile_overlayer_lowered:
.L_overlay_start_2:
0x40: {  	(tag) =	ssettag $0x2  }
0x41: {  	s0 =	rddreg [dreg:$0x0];
	s2 =	stileid.u32  }
0x42: {  	s1 =	rddreg [dreg:$0x1];
	p0 =	sne.s32 s2, $0x0  }
0x43: {  	s3 =	rddreg [dreg:$0x2];
	[bflag:$0x3] =	sbarrier.arrive $0xFFFF;
	s2 =	simm.s32 @!p0 $0x1C02  }
0x44: {  	[timem:s3], [sflag:s2] =	dma.local @!p0 [hbm:s0], s1  }
0x45: {  	s0 =	simm.s32 @!p0 $0x2  }
0x46: {  	_ =	swait.ge @!p0 [sflag:s0], s1  }
0x47: {  	s1 =	ssub.s32 @!p0 $0x0, s1;
	[sflag:s0] =	ssyncset.done @!p0 $0x0  }
0x48: {  	[sflag:s0] =	ssyncadd.s32 @!p0 s1  }
0x49: {  	[bflag:$0x3] =	sbarrier.arrive $0xFFFF  }
0x4a: {  	_ =	shalt  }

// kernel: kernel.9.cloned.1.call-start
scs
__scs_entry_jumppad:
0x0: {  	(pc) =	sbr.rel $0x88, $3  }
0x1: {  	(tag) =	ssettag $0x0;
	lr =	simm.s32 $0x1  }
0x2: {  	[smem:$0x3F9B] =	sst lr;
	_ =	strace $0xD0000000  }
0x3: {  	_ = 	snop  }
0x4: {  	_ = 	snop  }
0x5: {  	_ = 	snop  }
0x6: {  	_ = 	snop  }
0x7: {  	_ = 	snop  }
__scs_overlays_trampoline_lowered:
0x8: {  	[smem:$0x3FAA] =	sst s0  }
0x9: {  	[smem:$0x3FAB] =	sst s1  }
0xa: {  	[smem:$0x3FAC] =	sst s2  }
0xb: {  	[smem:$0x3FAD] =	sst s3  }
0xc: {  	[smem:$0x3FAE] =	sst s4  }
0xd: {  	[smem:$0x3FAF] =	sst s5  }
0xe: {  	[smem:$0x3FB0] =	sst s6  }
0xf: {  	[smem:$0x3FB1] =	sst s7  }
0x10: {  	[smem:$0x3FB2] =	sst s8  }
0x11: {  	[smem:$0x3FB3] =	sst s9;
	s0 =	simm.s32 @!p0 $0x0  }
0x12: {  	s1 =	sld [smem:$0x3F99];
	s0 =	simm.s32 @p0 $0x1  }
0x13: {  	[smem:$0x3FB4] =	sst s0;
	s0 =	simm.s32 @!p1 $0x0  }
0x14: {  	s2 =	sld [smem:$0x3F98];
	s0 =	simm.s32 @p1 $0x1  }
0x15: {  	[smem:$0x3FB5] =	sst s0;
	s0 =	simm.s32 @!p2 $0x0  }
0x16: {  	s3 =	sld [smem:$0x3FDB];
	s0 =	simm.s32 @p2 $0x1  }
0x17: {  	s4 =	simm.s32 $0x1BF5;
	[smem:$0x3FB7] =	sst s0  }
0x18: {  	s0 =	sld [smem:$0x3F9A];
	_ =	swait.ge [sflag:s4], $0x0  }
0x19: {  	s7 =	sld [smem:$0x3F9B]  }
0x1a: {  	s8 =	sadd.s32 $0xFFFFE003, lr  }
0x1b: {  	s9 =	sadd.s32 $0xFFFFFEF7, lr;
	s5 =	simm.s32 $0xFFFFFFFF;
	p2 =	slt.u32 s8, $0xFFFFF086  }
0x1c: {  	p1 =	slt.u32 s9, $0xF7A;
	s5 =	simm.s32 @!p2 $0x0  }
0x1d: {  	s5 =	simm.s32 @p1 $0x1;
	p0 =	seq.s32 s7, s2  }
0x1e: {  	s7 =	smul.u32 @!p0 $0xF7A, s2;
	p2 =	seq.s32 @!p0 s5, $0x0  }
0x1f: {  	s9 =	smul.u32 $0xF7A, s1;
	s8 =	simm.s32 @!p0 $0x1BF5;
	p2 =	por !p2, p0  }
0x20: {  	[sflag:s8] =	ssyncset.s32 @!p0 $0xFFFFF086;
	s6 =	sadd.s32 @!p0 s3, s7;
	s7 =	simm.s32 @!p0 $0x108  }
0x21: {  	s3 =	sadd.s32 s3, s9;
	s6 =	sadd.s32 @!p0 $0x88, s6;
	s7 =	simm.s32 @p2 $0x1082  }
0x22: {  	[simem:s7], [sflag:s8] =	dma.local @!p0 [hbm:s6], $0xF7A  }
0x23: {  	s9 =	sor.u32 $0xD0000000, s2;
	s6 =	simm.s32 $0x108;
	_ =	swait.ge @!p0 [sflag:s8], $0x0  }
0x24: {  	s3 =	sadd.s32 $0x88, s3;
	s6 =	simm.s32 @!p1 $0x1082;
	[sflag:s4] =	ssyncset.s32 $0xFFFFF086  }
0x25: {  	[simem:s6], [sflag:s4] =	dma.local [hbm:s3], $0xF7A  }
0x26: {  	[smem:$0x3F9B] =	sst s1;
	(tag) =	ssettag s2;
	_ =	strace s9  }
0x27: {  	s1 =	sld [smem:$0x3FAB]  }
0x28: {  	s2 =	sld [smem:$0x3FAC]  }
0x29: {  	s4 =	sld [smem:$0x3FAE]  }
0x2a: {  	p0 =	seq.s32 s5, $0x0;
	s5 =	sld [smem:$0x3FAF]  }
0x2b: {  	s6 =	sld [smem:$0x3FB0]  }
0x2c: {  	s7 =	sld [smem:$0x3FB1]  }
0x2d: {  	s3 =	simm.s32 $0x108;
	s8 =	sld [smem:$0x3FB2]  }
0x2e: {  	s3 =	simm.s32 @!p0 $0x1082;
	s9 =	sld [smem:$0x3FB3]  }
0x2f: {  	lr =	sadd.s32 s0, s3;
	s0 =	sld [smem:$0x3FAA]  }
0x30: {  	s3 =	sld [smem:$0x3FAD]  }
0x31: {  	[smem:$0x3FB6] =	sst s10  }
0x32: {  	s10 =	sld [smem:$0x3FB4];
	_ =	sdelay $0x3  }
0x33: {  	p0 =	seq.s32 s10, $0x1;
	s10 =	sld [smem:$0x3FB6];
	_ =	sdelay $0x3  }
0x34: {  	[smem:$0x3FB6] =	sst s10  }
0x35: {  	s10 =	sld [smem:$0x3FB5];
	_ =	sdelay $0x3  }
0x36: {  	p1 =	seq.s32 s10, $0x1;
	s10 =	sld [smem:$0x3FB6];
	_ =	sdelay $0x3  }
0x37: {  	[smem:$0x3FB6] =	sst s10  }
0x38: {  	s10 =	sld [smem:$0x3FB7]  }
0x39: {  	_ = 	snop;
	(pc) =	sbr.ind lr, $3  }
0x3a: {  	_ = 	snop  }
0x3b: {  	_ = 	snop  }
0x3c: {  	p2 =	seq.s32 s10, $0x1;
	s10 =	sld [smem:$0x3FB6]  }
0x3d: {  	_ =	shalt  }
0x3e: {  	_ =	shalt  }
0x3f: {  	_ =	shalt  }
0x40: {  	_ =	shalt  }
0x41: {  	_ =	shalt  }
0x42: {  	_ =	shalt  }
0x43: {  	_ =	shalt  }
0x44: {  	_ =	shalt  }
0x45: {  	_ =	shalt  }
0x46: {  	_ =	shalt  }
0x47: {  	_ =	shalt  }
0x48: {  	_ =	shalt  }
0x49: {  	_ =	shalt  }
0x4a: {  	_ =	shalt  }
0x4b: {  	_ =	shalt  }
0x4c: {  	_ =	shalt  }
0x4d: {  	_ =	shalt  }
0x4e: {  	_ =	shalt  }
0x4f: {  	_ =	shalt  }
0x50: {  	_ =	shalt  }
0x51: {  	_ =	shalt  }
0x52: {  	_ =	shalt  }
0x53: {  	_ =	shalt  }
0x54: {  	_ =	shalt  }
0x55: {  	_ =	shalt  }
0x56: {  	_ =	shalt  }
0x57: {  	_ =	shalt  }
0x58: {  	_ =	shalt  }
0x59: {  	_ =	shalt  }
0x5a: {  	_ =	shalt  }
0x5b: {  	_ =	shalt  }
0x5c: {  	_ =	shalt  }
0x5d: {  	_ =	shalt  }
0x5e: {  	_ =	shalt  }
0x5f: {  	_ =	shalt  }
0x60: {  	_ =	shalt  }
0x61: {  	_ =	shalt  }
0x62: {  	_ =	shalt  }
0x63: {  	_ =	shalt  }
0x64: {  	_ =	shalt  }
0x65: {  	_ =	shalt  }
0x66: {  	_ =	shalt  }
0x67: {  	_ =	shalt  }
0x68: {  	_ =	shalt  }
0x69: {  	_ =	shalt  }
0x6a: {  	_ =	shalt  }
0x6b: {  	_ =	shalt  }
0x6c: {  	_ =	shalt  }
0x6d: {  	_ =	shalt  }
0x6e: {  	_ =	shalt  }
0x6f: {  	_ =	shalt  }
0x70: {  	_ =	shalt  }
0x71: {  	_ =	shalt  }
0x72: {  	_ =	shalt  }
0x73: {  	_ =	shalt  }
0x74: {  	_ =	shalt  }
0x75: {  	_ =	shalt  }
0x76: {  	_ =	shalt  }
0x77: {  	_ =	shalt  }
0x78: {  	_ =	shalt  }
0x79: {  	_ =	shalt  }
0x7a: {  	_ =	shalt  }
0x7b: {  	_ =	shalt  }
0x7c: {  	_ =	shalt  }
0x7d: {  	_ =	shalt  }
0x7e: {  	_ =	shalt  }
0x7f: {  	_ =	shalt  }
0x80: {  	_ =	shalt  }
0x81: {  	_ =	shalt  }
0x82: {  	_ =	shalt  }
0x83: {  	_ =	shalt  }
0x84: {  	_ =	shalt  }
0x85: {  	_ =	shalt  }
0x86: {  	_ =	shalt  }
0x87: {  	_ =	shalt  }
.Lfunc_end0:
.L_simem_size_0:
called_computation.1_lowered:
.L_overlay_start_0:
0x88: {  	s2 =	sld [smem:$0x3FD9]  }
0x89: {  	s3 =	sld [smem:$0x3FFE];
	_ =	sdelay $0x1  }
0x8a: {  	s1 =	srdreg.scid  }
0x8b: {  	s0 =	sand.u32 $0x1, s1  }
0x8c: {  	s16 =	sshll.u32 s0, $0xA;
	s2 =	sadd.s32 s3, s2  }
0x8d: {  	s2 =	sadd.s32 s2, s16  }
0x8e: {  	[smem:$0x3FC2] =	sst s2  }
0x8f: {  	_ = 	snop  }
0x90: {  	(tm) =	ssettm $0x1  }
0x91: {  	s17 =	sld [smem:$0x3FFB];
	_ =	sdelay $0x3  }
0x92: {  	_ =	strace s17  }
0x93: {  	s2 =	sld [smem:$0x3FFC];
	_ =	sdelay $0x3  }
0x94: {  	_ =	strace s2  }
0x95: {  	s2 =	sld [smem:$0x3FFD];
	_ =	sdelay $0x3  }
0x96: {  	_ =	strace s2  }
0x97: {  	_ =	strace $0x8FFFFFFF  }
0x98: {  	s18 =	sld [smem:$0x3FDB];
	_ =	sdelay $0x1  }
0x99: {  	s19 =	simm.s32 $_scs_section_size  }
0x9a: {  	s4 =	simm.s32 $_size__tile_overlayer_lowered;
	s5 =	simm.s32 $_tile_overlayer_lowered  }
0x9b: {  	s22 =	simm.s32 $0x1BFF;
	s21 =	sshll.u32 s5, $0x1;
	s2 =	sadd.s32 s19, s18  }
0x9c: {  	s6 =	simm.s32 $0x0;
	s20 =	sshll.u32 s4, $0x1;
	s4 =	sadd.s32 s21, s2  }
0x9d: {  	[timem:s6], [sflag:s22] =	dma.local [hbm:s4], s20  }
0x9e: {  	_ =	swait.ge [sflag:s22], s20  }
0x9f: {  	s3 =	ssub.s32 $0x0, s20;
	[sflag:s22] =	ssyncset.done $0x0  }
0xa0: {  	[sflag:s22] =	ssyncadd.s32 s3;
	_ =	sdelay $0x1  }
0xa1: {  	s23 =	simm.s32 $0x1B8B  }
0xa2: {  	_ =	swait.ge [sflag:s23], $0x1  }
0xa3: {  	[sflag:s23] =	ssyncset.done $0x0  }
0xa4: {  	s25 =	simm.s32 $0x1B8E;
	s24 =	sld [smem:$0x3FFE];
	[sflag:s23] =	ssyncadd.s32 $0xFFFFFFFF  }
0xa5: {  	s26 =	simm.s32 $execute0_lowered;
	[smem:$0x3FD2] =	sst s25  }
0xa6: {  	s4 =	sshll.u32 s26, $0x1;
	_ =	strace $0x80000049;
	[dreg:$0x1] =	wrdreg $0xFFFFFFFF  }
0xa7: {  	s28 =	simm.s32 $_size_execute0_lowered;
	s2 =	sadd.s32 s2, s4;
	[dreg:$0x0] =	wrdreg $0x0  }
0xa8: {  	s4 =	sshll.u32 s28, $0x1;
	[dreg:$0x2] =	wrdreg s2  }
0xa9: {  	[dreg:$0x3] =	wrdreg s4  }
0xaa: {  	[dreg:$0x4] =	wrdreg $0xC0  }
0xab: {  	_ =	task [dreg:s6], $0x5FFFF  }
0xac: {  	[dreg:$0x1] =	wrdreg $0xFFFFFFFF  }
0xad: {  	[dreg:$0x0] =	wrdreg $0x60  }
0xae: {  	[dreg:$0x2] =	wrdreg s24  }
0xaf: {  	[dreg:$0x3] =	wrdreg $0xCB200  }
0xb0: {  	[dreg:$0x4] =	wrdreg $0xF3200  }
0xb1: {  	[dreg:$0x5] =	wrdreg $0x9  }
0xb2: {  	_ =	task.clear_ibuf [dreg:s6], $0x6FFFF;
	_ =	strace $0x90000049  }
0xb3: {  	s29 =	simm.s32 $0x9;
	_ =	strace $0x8000004B  }
0xb4: {  	_ =	swait.ge [sflag:s29], $0x1  }
0xb5: {  	[sflag:s29] =	ssyncadd.s32 $0xFFFFFFFF  }
0xb6: {  	_ =	strace $0x9000004B  }
0xb7: {  	_ =	sfence  }
0xb8: {  	s30 =	sld [smem:$0x0];
	_ =	sdelay $0x2  }
0xb9: {  	s31 =	sshll.u32 s1, $0xD;
	s1 =	sshrl.u32 s1, $0x2  }
0xba: {  	s3 =	sand.u32 $0x4000, s31;
	s1 =	sadd.s32 s1, s30  }
0xbb: {  	s0 =	sor.u32 s3, s0;
	s1 =	sshll.u32 s1, $0x11  }
0xbc: {  	s0 =	sor.u32 s1, s0  }
0xbd: {  	s0 =	sadd.s32 $0x8F2B, s0  }
0xbe: {  	[sflag:s0] =	ssyncadd.remote.s32 $0x1  }
0xbf: {  	_ =	sfence.sel $0xFFFF  }
0xc0: {  	[dreg:$0x0] =	wrdreg $0xFFFFFFFF;
	(pc) =	sbr.abs _section_cstart, $3  }
0xc1: {  	[dreg:$0x1] =	wrdreg $0xFFFFFFFF  }
0xc2: {  	_ =	task.clear_ibuf [dreg:s6], $0x2FFFF;
	_ =	strace $0x9FFFFFFF  }
0xc3: {  	(tm) =	ssettm $0x7FFFFFFF  }
tec
execute0_lowered:
.L_overlay_start_1:
0x0: {  	(tag) =	ssettag $0x1  }
0x1: {  	s0 =	rddreg [dreg:$0x0];
	s2 =	srdreg.scid  }
0x2: {  	s1 =	rddreg [dreg:$0x1];
	s5 =	stileid.u32;
	s3 =	simm.s32 $0x0  }
0x3: {  	s11 =	simm.s32 $0x5;
	s14 =	simm.s32 $0x3E8;
	s15 =	simm.s32 $0x4E20  }
0x4: {  	s16 =	simm.s32 $0x1;
	s17 =	simm.s32 $0x8CA0;
	s18 =	simm.s32 $0x80  }
0x5: {  	s20 =	simm.s32 $0x5620;
	s22 =	simm.s32 $0x5E20;
	s29 =	simm.s32 $0x7620  }
0x6: {  	s31 =	simm.s32 $0x7E20;
	s30 =	simm.s32 $0x9CA0;
	s19 =	simm.s32 $0xA4A0  }
0x7: {  	s23 =	simm.s32 $0xACA0;
	s10 =	simm.s32 $0xB4A0;
	s28 =	simm.s32 $0xBCA0  }
0x8: {  	s21 =	simm.s32 $0xC4A0;
	s4 =	sand.u32 $0x1, s2;
	s2 =	rddreg [dreg:$0x2]  }
0x9: {  	[smem:$0x7FF] =	sst s3;
	s9 =	sadd.s32 $0x2200, s0;
	s24 =	sadd.s32 $0x7200, s0  }
0xa: {  	p1 =	seq.s32 s5, $0x1;
	p0 =	sne.s32 s5, $0x0;
	s6 =	sshll.u32 s4, $0x4  }
0xb: {  	_ =	strace $0x8000004A;
	s7 =	smul.u32 $0x5000, s4;
	[dreg:$0x4] =	wrdreg s9  }
0xc: {  	s4 =	ssub.s32 $0x2, s4;
	[dreg:$0x5] =	wrdreg s24;
	s26 =	sshrl.u32 s2, $0x3  }
0xd: {  	s24 =	simm.s32 $0x6620;
	s9 =	simm.s32 $0x3;
	s6 =	sor.u32 s5, s6  }
0xe: {  	s25 =	sshrl.u32 s4, $0x1;
	[dreg:$0x8] =	wrdreg s26;
	s26 =	simm.s32 $0x6E20  }
0xf: {  	s5 =	simm.s32 $0x2;
	s6 =	smul.u32 $0x4E2, s6;
	s7 =	sadd.s32 s7, s0  }
.Ltmp0:
0x10: {  	s4 =	ssub.s32 s4, s25;
	s25 =	simm.s32 $0x94A0;
	(pc) =	sbr.rel .LBB2_1-.Ltmp0, $4  }
0x11: {  	s7 =	sadd.s32 $0xC200, s7;
	s8 =	sadd.s32 s6, s0;
	s0 =	sadd.s32 $0x20040, s0  }
0x12: {  	[dreg:$0x7] =	wrdreg s7;
	s8 =	sadd.s32 $0x16400, s8;
	s0 =	sadd.s32 s6, s0  }
0x13: {  	s6 =	simm.s32 $0x4;
	[dreg:$0x6] =	wrdreg s8;
	s8 =	smax.u32 s4, $0x1  }
0x14: {  	[dreg:$0x9] =	wrdreg s0;
	s0 =	simm.s32 $0x68;
	s4 =	simm.s32 $0x8620  }
.LBB2_4:
0x15: {  	s7 =	rddreg [dreg:$0x4]  }
0x16: {  	s12 =	rddreg [dreg:$0x8];
	s13 =	simm.s32 $0x1C45  }
0x17: {  	[spmem:s12], [sflag:s13] =	dma.local [hbm:s7], $0x5000  }
.LBB2_5:
0x18: {  	_ =	swait.ge [sflag:s11], $0x5000  }
0x19: {  	[sflag:s11] =	ssyncset.done $0x0  }
0x1a: {  	[sflag:s11] =	ssyncadd.s32 $0xFFFFB000  }
.LBB2_6:
0x1b: {  	s7 =	rddreg [dreg:$0x6]  }
0x1c: {  	[tilespmem:s3], [sflag:$0x5] =	stream.linear.gather [hbm4b:s7+s3], $0x2710, $0x38;
	[tilespmem:$0x11B20] =	vst v63  }
0x1d: {  	_ =	swait.ge [sflag:s11], $0x2710  }
0x1e: {  	[sflag:s11] =	ssyncset.done $0x0  }
0x1f: {  	s12 =	simm.s32 $0x2710;
	s13 =	rddreg [dreg:$0x9];
	[sflag:s11] =	ssyncadd.s32 $0xFFFFD8F0  }
0x20: {  	[tilespmem:s12], [sflag:$0x5] =	stream.linear.gather [hbm4b:s13+s3], $0x2710, $0x38;
	[tilespmem:$0x11B20] =	vst v63  }
0x21: {  	_ =	swait.ge [sflag:s11], $0x2710  }
0x22: {  	[sflag:s11] =	ssyncset.done $0x0  }
0x23: {  	[sflag:s11] =	ssyncadd.s32 $0xFFFFD8F0  }
0x24: {  	[bflag:$0x0] =	sbarrier.arrive $0xFFFF  }
0x25: {  	[tilespmem:s15], [sflag:$0x1] =	stream.indirect.gather [spmem:s2], $0x10, s3, s14, $0xb8;
	[tilespmem:$0x11B20] =	vst v63  }
0x26: {  	_ =	swait.ge [sflag:s16], $0x3E80  }
0x27: {  	[sflag:s16] =	ssyncset.done $0x0  }
0x28: {  	[sflag:s16] =	ssyncadd.s32 $0xFFFFC180  }
0x29: {  	[tilespmem:s17], [sflag:$0x2] =	stream.indirect.gather [spmem:s2], $0x10, s14, s14, $0xb8;
	[tilespmem:$0x11B20] =	vst v63  }
0x2a: {  	_ = 	snop  }
0x2b: {  	[spmem:s1] =	stream.indirect.scatter.add.f32 [tilespmem:s15], [sflag:$0x3], $0x10, s12, s18, $0xb8;
	[tilespmem:$0x11B20] =	vst v63  }
0x2c: {  	s13 =	simm.s32 $0x2790  }
0x2d: {  	[spmem:s1] =	stream.indirect.scatter.add.f32 [tilespmem:s20], [sflag:$0x3], $0x10, s13, s18, $0xb8;
	[tilespmem:$0x11B20] =	vst v63  }
0x2e: {  	s12 =	simm.s32 $0x2810  }
0x2f: {  	[spmem:s1] =	stream.indirect.scatter.add.f32 [tilespmem:s22], [sflag:$0x3], $0x10, s12, s18, $0xb8;
	[tilespmem:$0x11B20] =	vst v63  }
0x30: {  	s13 =	simm.s32 $0x2890  }
0x31: {  	[spmem:s1] =	stream.indirect.scatter.add.f32 [tilespmem:s24], [sflag:$0x3], $0x10, s13, s18, $0xb8;
	[tilespmem:$0x11B20] =	vst v63  }
0x32: {  	s12 =	simm.s32 $0x2910  }
0x33: {  	[spmem:s1] =	stream.indirect.scatter.add.f32 [tilespmem:s26], [sflag:$0x3], $0x10, s12, s18, $0xb8;
	[tilespmem:$0x11B20] =	vst v63  }
0x34: {  	s13 =	simm.s32 $0x2990  }
0x35: {  	[spmem:s1] =	stream.indirect.scatter.add.f32 [tilespmem:s29], [sflag:$0x3], $0x10, s13, s18, $0xb8;
	[tilespmem:$0x11B20] =	vst v63  }
0x36: {  	s12 =	simm.s32 $0x2A10  }
0x37: {  	[spmem:s1] =	stream.indirect.scatter.add.f32 [tilespmem:s31], [sflag:$0x3], $0x10, s12, s18, $0xb8;
	[tilespmem:$0x11B20] =	vst v63  }
0x38: {  	s13 =	simm.s32 $0x2A90  }
0x39: {  	[spmem:s1] =	stream.indirect.scatter.add.f32 [tilespmem:s4], [sflag:$0x3], $0x10, s13, s0, $0xb8;
	[tilespmem:$0x11B20] =	vst v63  }
0x3a: {  	_ =	swait.ge [sflag:s5], $0x3E80  }
0x3b: {  	[sflag:s5] =	ssyncset.done $0x0  }
0x3c: {  	[sflag:s5] =	ssyncadd.s32 $0xFFFFC180  }
0x3d: {  	_ =	swait.ge [sflag:s9], $0x3E80  }
0x3e: {  	[sflag:s9] =	ssyncset.done $0x0  }
0x3f: {  	s12 =	simm.s32 $0x7D0;
	[sflag:s9] =	ssyncadd.s32 $0xFFFFC180  }
0x40: {  	[tilespmem:s15], [sflag:$0x1] =	stream.indirect.gather [spmem:s2], $0x10, s12, s14, $0xb8;
	[tilespmem:$0x11B20] =	vst v63  }
0x41: {  	s13 =	simm.s32 $0x2AF8  }
0x42: {  	[spmem:s1] =	stream.indirect.scatter.add.f32 [tilespmem:s17], [sflag:$0x4], $0x10, s13, s18, $0xb8;
	[tilespmem:$0x11B20] =	vst v63  }
0x43: {  	s12 =	simm.s32 $0x2B78  }
0x44: {  	[spmem:s1] =	stream.indirect.scatter.add.f32 [tilespmem:s25], [sflag:$0x4], $0x10, s12, s18, $0xb8;
	[tilespmem:$0x11B20] =	vst v63  }
0x45: {  	s13 =	simm.s32 $0x2BF8  }
0x46: {  	[spmem:s1] =	stream.indirect.scatter.add.f32 [tilespmem:s30], [sflag:$0x4], $0x10, s13, s18, $0xb8;
	[tilespmem:$0x11B20] =	vst v63  }
0x47: {  	s12 =	simm.s32 $0x2C78  }
0x48: {  	[spmem:s1] =	stream.indirect.scatter.add.f32 [tilespmem:s19], [sflag:$0x4], $0x10, s12, s18, $0xb8;
	[tilespmem:$0x11B20] =	vst v63  }
0x49: {  	s13 =	simm.s32 $0x2CF8  }
0x4a: {  	[spmem:s1] =	stream.indirect.scatter.add.f32 [tilespmem:s23], [sflag:$0x4], $0x10, s13, s18, $0xb8;
	[tilespmem:$0x11B20] =	vst v63  }
0x4b: {  	s12 =	simm.s32 $0x2D78  }
0x4c: {  	[spmem:s1] =	stream.indirect.scatter.add.f32 [tilespmem:s10], [sflag:$0x4], $0x10, s12, s18, $0xb8;
	[tilespmem:$0x11B20] =	vst v63  }
0x4d: {  	s13 =	simm.s32 $0x2DF8  }
0x4e: {  	[spmem:s1] =	stream.indirect.scatter.add.f32 [tilespmem:s28], [sflag:$0x4], $0x10, s13, s18, $0xb8;
	[tilespmem:$0x11B20] =	vst v63  }
0x4f: {  	s12 =	simm.s32 $0x2E78  }
0x50: {  	[spmem:s1] =	stream.indirect.scatter.add.f32 [tilespmem:s21], [sflag:$0x4], $0x10, s12, s0, $0xb8;
	[tilespmem:$0x11B20] =	vst v63  }
0x51: {  	_ =	swait.ge [sflag:s16], $0x3E80  }
0x52: {  	[sflag:s16] =	ssyncset.done $0x0  }
0x53: {  	[sflag:s16] =	ssyncadd.s32 $0xFFFFC180  }
0x54: {  	_ =	swait.ge [sflag:s6], $0x3E80  }
0x55: {  	[sflag:s6] =	ssyncset.done $0x0  }
0x56: {  	s13 =	simm.s32 $0xBB8;
	[sflag:s6] =	ssyncadd.s32 $0xFFFFC180  }
0x57: {  	[tilespmem:s17], [sflag:$0x2] =	stream.indirect.gather [spmem:s2], $0x10, s13, s14, $0xb8;
	[tilespmem:$0x11B20] =	vst v63  }
0x58: {  	s12 =	simm.s32 $0x2EE0  }
0x59: {  	[spmem:s1] =	stream.indirect.scatter.add.f32 [tilespmem:s15], [sflag:$0x3], $0x10, s12, s18, $0xb8;
	[tilespmem:$0x11B20] =	vst v63  }
0x5a: {  	s13 =	simm.s32 $0x2F60  }
0x5b: {  	[spmem:s1] =	stream.indirect.scatter.add.f32 [tilespmem:s20], [sflag:$0x3], $0x10, s13, s18, $0xb8;
	[tilespmem:$0x11B20] =	vst v63  }
0x5c: {  	s12 =	simm.s32 $0x2FE0  }
0x5d: {  	[spmem:s1] =	stream.indirect.scatter.add.f32 [tilespmem:s22], [sflag:$0x3], $0x10, s12, s18, $0xb8;
	[tilespmem:$0x11B20] =	vst v63  }
0x5e: {  	s13 =	simm.s32 $0x3060  }
0x5f: {  	[spmem:s1] =	stream.indirect.scatter.add.f32 [tilespmem:s24], [sflag:$0x3], $0x10, s13, s18, $0xb8;
	[tilespmem:$0x11B20] =	vst v63  }
0x60: {  	s12 =	simm.s32 $0x30E0  }
0x61: {  	[spmem:s1] =	stream.indirect.scatter.add.f32 [tilespmem:s26], [sflag:$0x3], $0x10, s12, s18, $0xb8;
	[tilespmem:$0x11B20] =	vst v63  }
0x62: {  	s13 =	simm.s32 $0x3160  }
0x63: {  	[spmem:s1] =	stream.indirect.scatter.add.f32 [tilespmem:s29], [sflag:$0x3], $0x10, s13, s18, $0xb8;
	[tilespmem:$0x11B20] =	vst v63  }
0x64: {  	s12 =	simm.s32 $0x31E0  }
0x65: {  	[spmem:s1] =	stream.indirect.scatter.add.f32 [tilespmem:s31], [sflag:$0x3], $0x10, s12, s18, $0xb8;
	[tilespmem:$0x11B20] =	vst v63  }
0x66: {  	s13 =	simm.s32 $0x3260  }
0x67: {  	[spmem:s1] =	stream.indirect.scatter.add.f32 [tilespmem:s4], [sflag:$0x3], $0x10, s13, s0, $0xb8;
	[tilespmem:$0x11B20] =	vst v63  }
0x68: {  	_ =	swait.ge [sflag:s5], $0x3E80  }
0x69: {  	[sflag:s5] =	ssyncset.done $0x0  }
0x6a: {  	[sflag:s5] =	ssyncadd.s32 $0xFFFFC180  }
0x6b: {  	_ =	swait.ge [sflag:s9], $0x3E80  }
0x6c: {  	[sflag:s9] =	ssyncset.done $0x0  }
0x6d: {  	s12 =	simm.s32 $0xFA0;
	[sflag:s9] =	ssyncadd.s32 $0xFFFFC180  }
0x6e: {  	[tilespmem:s15], [sflag:$0x1] =	stream.indirect.gather [spmem:s2], $0x10, s12, s14, $0xb8;
	[tilespmem:$0x11B20] =	vst v63  }
0x6f: {  	s13 =	simm.s32 $0x32C8  }
0x70: {  	[spmem:s1] =	stream.indirect.scatter.add.f32 [tilespmem:s17], [sflag:$0x4], $0x10, s13, s18, $0xb8;
	[tilespmem:$0x11B20] =	vst v63  }
0x71: {  	s12 =	simm.s32 $0x3348  }
0x72: {  	[spmem:s1] =	stream.indirect.scatter.add.f32 [tilespmem:s25], [sflag:$0x4], $0x10, s12, s18, $0xb8;
	[tilespmem:$0x11B20] =	vst v63  }
0x73: {  	s13 =	simm.s32 $0x33C8  }
0x74: {  	[spmem:s1] =	stream.indirect.scatter.add.f32 [tilespmem:s30], [sflag:$0x4], $0x10, s13, s18, $0xb8;
	[tilespmem:$0x11B20] =	vst v63  }
0x75: {  	s12 =	simm.s32 $0x3448  }
0x76: {  	[spmem:s1] =	stream.indirect.scatter.add.f32 [tilespmem:s19], [sflag:$0x4], $0x10, s12, s18, $0xb8;
	[tilespmem:$0x11B20] =	vst v63  }
0x77: {  	s13 =	simm.s32 $0x34C8  }
0x78: {  	[spmem:s1] =	stream.indirect.scatter.add.f32 [tilespmem:s23], [sflag:$0x4], $0x10, s13, s18, $0xb8;
	[tilespmem:$0x11B20] =	vst v63  }
0x79: {  	s12 =	simm.s32 $0x3548  }
0x7a: {  	[spmem:s1] =	stream.indirect.scatter.add.f32 [tilespmem:s10], [sflag:$0x4], $0x10, s12, s18, $0xb8;
	[tilespmem:$0x11B20] =	vst v63  }
0x7b: {  	s13 =	simm.s32 $0x35C8  }
0x7c: {  	[spmem:s1] =	stream.indirect.scatter.add.f32 [tilespmem:s28], [sflag:$0x4], $0x10, s13, s18, $0xb8;
	[tilespmem:$0x11B20] =	vst v63  }
0x7d: {  	s12 =	simm.s32 $0x3648  }
0x7e: {  	[spmem:s1] =	stream.indirect.scatter.add.f32 [tilespmem:s21], [sflag:$0x4], $0x10, s12, s0, $0xb8;
	[tilespmem:$0x11B20] =	vst v63  }
0x7f: {  	_ =	swait.ge [sflag:s16], $0x3E80  }
0x80: {  	[sflag:s16] =	ssyncset.done $0x0  }
0x81: {  	[sflag:s16] =	ssyncadd.s32 $0xFFFFC180  }
0x82: {  	_ =	swait.ge [sflag:s6], $0x3E80  }
0x83: {  	[sflag:s6] =	ssyncset.done $0x0  }
0x84: {  	s13 =	simm.s32 $0x1388;
	[sflag:s6] =	ssyncadd.s32 $0xFFFFC180  }
0x85: {  	[tilespmem:s17], [sflag:$0x2] =	stream.indirect.gather [spmem:s2], $0x10, s13, s14, $0xb8;
	[tilespmem:$0x11B20] =	vst v63  }
0x86: {  	s12 =	simm.s32 $0x36B0  }
0x87: {  	[spmem:s1] =	stream.indirect.scatter.add.f32 [tilespmem:s15], [sflag:$0x3], $0x10, s12, s18, $0xb8;
	[tilespmem:$0x11B20] =	vst v63  }
0x88: {  	s13 =	simm.s32 $0x3730  }
0x89: {  	[spmem:s1] =	stream.indirect.scatter.add.f32 [tilespmem:s20], [sflag:$0x3], $0x10, s13, s18, $0xb8;
	[tilespmem:$0x11B20] =	vst v63  }
0x8a: {  	s12 =	simm.s32 $0x37B0  }
0x8b: {  	[spmem:s1] =	stream.indirect.scatter.add.f32 [tilespmem:s22], [sflag:$0x3], $0x10, s12, s18, $0xb8;
	[tilespmem:$0x11B20] =	vst v63  }
0x8c: {  	s13 =	simm.s32 $0x3830  }
0x8d: {  	[spmem:s1] =	stream.indirect.scatter.add.f32 [tilespmem:s24], [sflag:$0x3], $0x10, s13, s18, $0xb8;
	[tilespmem:$0x11B20] =	vst v63  }
0x8e: {  	s12 =	simm.s32 $0x38B0  }
0x8f: {  	[spmem:s1] =	stream.indirect.scatter.add.f32 [tilespmem:s26], [sflag:$0x3], $0x10, s12, s18, $0xb8;
	[tilespmem:$0x11B20] =	vst v63  }
0x90: {  	s13 =	simm.s32 $0x3930  }
0x91: {  	[spmem:s1] =	stream.indirect.scatter.add.f32 [tilespmem:s29], [sflag:$0x3], $0x10, s13, s18, $0xb8;
	[tilespmem:$0x11B20] =	vst v63  }
0x92: {  	s12 =	simm.s32 $0x39B0  }
0x93: {  	[spmem:s1] =	stream.indirect.scatter.add.f32 [tilespmem:s31], [sflag:$0x3], $0x10, s12, s18, $0xb8;
	[tilespmem:$0x11B20] =	vst v63  }
0x94: {  	s13 =	simm.s32 $0x3A30  }
0x95: {  	[spmem:s1] =	stream.indirect.scatter.add.f32 [tilespmem:s4], [sflag:$0x3], $0x10, s13, s0, $0xb8;
	[tilespmem:$0x11B20] =	vst v63  }
0x96: {  	_ =	swait.ge [sflag:s5], $0x3E80  }
0x97: {  	[sflag:s5] =	ssyncset.done $0x0  }
0x98: {  	[sflag:s5] =	ssyncadd.s32 $0xFFFFC180  }
0x99: {  	_ =	swait.ge [sflag:s9], $0x3E80  }
0x9a: {  	[sflag:s9] =	ssyncset.done $0x0  }
0x9b: {  	s12 =	simm.s32 $0x1770;
	[sflag:s9] =	ssyncadd.s32 $0xFFFFC180  }
0x9c: {  	[tilespmem:s15], [sflag:$0x1] =	stream.indirect.gather [spmem:s2], $0x10, s12, s14, $0xb8;
	[tilespmem:$0x11B20] =	vst v63  }
0x9d: {  	s13 =	simm.s32 $0x3A98  }
0x9e: {  	[spmem:s1] =	stream.indirect.scatter.add.f32 [tilespmem:s17], [sflag:$0x4], $0x10, s13, s18, $0xb8;
	[tilespmem:$0x11B20] =	vst v63  }
0x9f: {  	s12 =	simm.s32 $0x3B18  }
0xa0: {  	[spmem:s1] =	stream.indirect.scatter.add.f32 [tilespmem:s25], [sflag:$0x4], $0x10, s12, s18, $0xb8;
	[tilespmem:$0x11B20] =	vst v63  }
0xa1: {  	s13 =	simm.s32 $0x3B98  }
0xa2: {  	[spmem:s1] =	stream.indirect.scatter.add.f32 [tilespmem:s30], [sflag:$0x4], $0x10, s13, s18, $0xb8;
	[tilespmem:$0x11B20] =	vst v63  }
0xa3: {  	s12 =	simm.s32 $0x3C18  }
0xa4: {  	[spmem:s1] =	stream.indirect.scatter.add.f32 [tilespmem:s19], [sflag:$0x4], $0x10, s12, s18, $0xb8;
	[tilespmem:$0x11B20] =	vst v63  }
0xa5: {  	s13 =	simm.s32 $0x3C98  }
0xa6: {  	[spmem:s1] =	stream.indirect.scatter.add.f32 [tilespmem:s23], [sflag:$0x4], $0x10, s13, s18, $0xb8;
	[tilespmem:$0x11B20] =	vst v63  }
0xa7: {  	s12 =	simm.s32 $0x3D18  }
0xa8: {  	[spmem:s1] =	stream.indirect.scatter.add.f32 [tilespmem:s10], [sflag:$0x4], $0x10, s12, s18, $0xb8;
	[tilespmem:$0x11B20] =	vst v63  }
0xa9: {  	s13 =	simm.s32 $0x3D98  }
0xaa: {  	[spmem:s1] =	stream.indirect.scatter.add.f32 [tilespmem:s28], [sflag:$0x4], $0x10, s13, s18, $0xb8;
	[tilespmem:$0x11B20] =	vst v63  }
0xab: {  	s12 =	simm.s32 $0x3E18  }
0xac: {  	[spmem:s1] =	stream.indirect.scatter.add.f32 [tilespmem:s21], [sflag:$0x4], $0x10, s12, s0, $0xb8;
	[tilespmem:$0x11B20] =	vst v63  }
0xad: {  	_ =	swait.ge [sflag:s16], $0x3E80  }
0xae: {  	[sflag:s16] =	ssyncset.done $0x0  }
0xaf: {  	[sflag:s16] =	ssyncadd.s32 $0xFFFFC180  }
0xb0: {  	_ =	swait.ge [sflag:s6], $0x3E80  }
0xb1: {  	[sflag:s6] =	ssyncset.done $0x0  }
0xb2: {  	s13 =	simm.s32 $0x1B58;
	[sflag:s6] =	ssyncadd.s32 $0xFFFFC180  }
0xb3: {  	[tilespmem:s17], [sflag:$0x2] =	stream.indirect.gather [spmem:s2], $0x10, s13, s14, $0xb8;
	[tilespmem:$0x11B20] =	vst v63  }
0xb4: {  	s12 =	simm.s32 $0x3E80  }
0xb5: {  	[spmem:s1] =	stream.indirect.scatter.add.f32 [tilespmem:s15], [sflag:$0x3], $0x10, s12, s18, $0xb8;
	[tilespmem:$0x11B20] =	vst v63  }
0xb6: {  	s13 =	simm.s32 $0x3F00  }
0xb7: {  	[spmem:s1] =	stream.indirect.scatter.add.f32 [tilespmem:s20], [sflag:$0x3], $0x10, s13, s18, $0xb8;
	[tilespmem:$0x11B20] =	vst v63  }
0xb8: {  	s12 =	simm.s32 $0x3F80  }
0xb9: {  	[spmem:s1] =	stream.indirect.scatter.add.f32 [tilespmem:s22], [sflag:$0x3], $0x10, s12, s18, $0xb8;
	[tilespmem:$0x11B20] =	vst v63  }
0xba: {  	s13 =	simm.s32 $0x4000  }
0xbb: {  	[spmem:s1] =	stream.indirect.scatter.add.f32 [tilespmem:s24], [sflag:$0x3], $0x10, s13, s18, $0xb8;
	[tilespmem:$0x11B20] =	vst v63  }
0xbc: {  	s12 =	simm.s32 $0x4080  }
0xbd: {  	[spmem:s1] =	stream.indirect.scatter.add.f32 [tilespmem:s26], [sflag:$0x3], $0x10, s12, s18, $0xb8;
	[tilespmem:$0x11B20] =	vst v63  }
0xbe: {  	s13 =	simm.s32 $0x4100  }
0xbf: {  	[spmem:s1] =	stream.indirect.scatter.add.f32 [tilespmem:s29], [sflag:$0x3], $0x10, s13, s18, $0xb8;
	[tilespmem:$0x11B20] =	vst v63  }
0xc0: {  	s12 =	simm.s32 $0x4180  }
0xc1: {  	[spmem:s1] =	stream.indirect.scatter.add.f32 [tilespmem:s31], [sflag:$0x3], $0x10, s12, s18, $0xb8;
	[tilespmem:$0x11B20] =	vst v63  }
0xc2: {  	s13 =	simm.s32 $0x4200  }
0xc3: {  	[spmem:s1] =	stream.indirect.scatter.add.f32 [tilespmem:s4], [sflag:$0x3], $0x10, s13, s0, $0xb8;
	[tilespmem:$0x11B20] =	vst v63  }
0xc4: {  	_ =	swait.ge [sflag:s5], $0x3E80  }
0xc5: {  	[sflag:s5] =	ssyncset.done $0x0  }
0xc6: {  	[sflag:s5] =	ssyncadd.s32 $0xFFFFC180  }
0xc7: {  	_ =	swait.ge [sflag:s9], $0x3E80  }
0xc8: {  	[sflag:s9] =	ssyncset.done $0x0  }
0xc9: {  	s12 =	simm.s32 $0x1F40;
	[sflag:s9] =	ssyncadd.s32 $0xFFFFC180  }
0xca: {  	[tilespmem:s15], [sflag:$0x1] =	stream.indirect.gather [spmem:s2], $0x10, s12, s14, $0xb8;
	[tilespmem:$0x11B20] =	vst v63  }
0xcb: {  	s13 =	simm.s32 $0x4268  }
0xcc: {  	[spmem:s1] =	stream.indirect.scatter.add.f32 [tilespmem:s17], [sflag:$0x4], $0x10, s13, s18, $0xb8;
	[tilespmem:$0x11B20] =	vst v63  }
0xcd: {  	s12 =	simm.s32 $0x42E8  }
0xce: {  	[spmem:s1] =	stream.indirect.scatter.add.f32 [tilespmem:s25], [sflag:$0x4], $0x10, s12, s18, $0xb8;
	[tilespmem:$0x11B20] =	vst v63  }
0xcf: {  	s13 =	simm.s32 $0x4368  }
0xd0: {  	[spmem:s1] =	stream.indirect.scatter.add.f32 [tilespmem:s30], [sflag:$0x4], $0x10, s13, s18, $0xb8;
	[tilespmem:$0x11B20] =	vst v63  }
0xd1: {  	s12 =	simm.s32 $0x43E8  }
0xd2: {  	[spmem:s1] =	stream.indirect.scatter.add.f32 [tilespmem:s19], [sflag:$0x4], $0x10, s12, s18, $0xb8;
	[tilespmem:$0x11B20] =	vst v63  }
0xd3: {  	s13 =	simm.s32 $0x4468  }
0xd4: {  	[spmem:s1] =	stream.indirect.scatter.add.f32 [tilespmem:s23], [sflag:$0x4], $0x10, s13, s18, $0xb8;
	[tilespmem:$0x11B20] =	vst v63  }
0xd5: {  	s12 =	simm.s32 $0x44E8  }
0xd6: {  	[spmem:s1] =	stream.indirect.scatter.add.f32 [tilespmem:s10], [sflag:$0x4], $0x10, s12, s18, $0xb8;
	[tilespmem:$0x11B20] =	vst v63  }
0xd7: {  	s13 =	simm.s32 $0x4568  }
0xd8: {  	[spmem:s1] =	stream.indirect.scatter.add.f32 [tilespmem:s28], [sflag:$0x4], $0x10, s13, s18, $0xb8;
	[tilespmem:$0x11B20] =	vst v63  }
0xd9: {  	s12 =	simm.s32 $0x45E8  }
0xda: {  	[spmem:s1] =	stream.indirect.scatter.add.f32 [tilespmem:s21], [sflag:$0x4], $0x10, s12, s0, $0xb8;
	[tilespmem:$0x11B20] =	vst v63  }
0xdb: {  	_ =	swait.ge [sflag:s16], $0x3E80  }
0xdc: {  	[sflag:s16] =	ssyncset.done $0x0  }
0xdd: {  	[sflag:s16] =	ssyncadd.s32 $0xFFFFC180  }
0xde: {  	_ =	swait.ge [sflag:s6], $0x3E80  }
0xdf: {  	[sflag:s6] =	ssyncset.done $0x0  }
0xe0: {  	s13 =	simm.s32 $0x2328;
	[sflag:s6] =	ssyncadd.s32 $0xFFFFC180  }
0xe1: {  	[tilespmem:s17], [sflag:$0x2] =	stream.indirect.gather [spmem:s2], $0x10, s13, s14, $0xb8;
	[tilespmem:$0x11B20] =	vst v63  }
0xe2: {  	s12 =	simm.s32 $0x4650  }
0xe3: {  	[spmem:s1] =	stream.indirect.scatter.add.f32 [tilespmem:s15], [sflag:$0x3], $0x10, s12, s18, $0xb8;
	[tilespmem:$0x11B20] =	vst v63  }
0xe4: {  	s13 =	simm.s32 $0x46D0  }
0xe5: {  	[spmem:s1] =	stream.indirect.scatter.add.f32 [tilespmem:s20], [sflag:$0x3], $0x10, s13, s18, $0xb8;
	[tilespmem:$0x11B20] =	vst v63  }
0xe6: {  	s12 =	simm.s32 $0x4750  }
0xe7: {  	[spmem:s1] =	stream.indirect.scatter.add.f32 [tilespmem:s22], [sflag:$0x3], $0x10, s12, s18, $0xb8;
	[tilespmem:$0x11B20] =	vst v63  }
0xe8: {  	s13 =	simm.s32 $0x47D0  }
0xe9: {  	[spmem:s1] =	stream.indirect.scatter.add.f32 [tilespmem:s24], [sflag:$0x3], $0x10, s13, s18, $0xb8;
	[tilespmem:$0x11B20] =	vst v63  }
0xea: {  	s12 =	simm.s32 $0x4850  }
0xeb: {  	[spmem:s1] =	stream.indirect.scatter.add.f32 [tilespmem:s26], [sflag:$0x3], $0x10, s12, s18, $0xb8;
	[tilespmem:$0x11B20] =	vst v63  }
0xec: {  	s13 =	simm.s32 $0x48D0  }
0xed: {  	[spmem:s1] =	stream.indirect.scatter.add.f32 [tilespmem:s29], [sflag:$0x3], $0x10, s13, s18, $0xb8;
	[tilespmem:$0x11B20] =	vst v63  }
0xee: {  	s12 =	simm.s32 $0x4950  }
0xef: {  	[spmem:s1] =	stream.indirect.scatter.add.f32 [tilespmem:s31], [sflag:$0x3], $0x10, s12, s18, $0xb8;
	[tilespmem:$0x11B20] =	vst v63  }
0xf0: {  	s13 =	simm.s32 $0x49D0  }
0xf1: {  	[spmem:s1] =	stream.indirect.scatter.add.f32 [tilespmem:s4], [sflag:$0x3], $0x10, s13, s0, $0xb8;
	[tilespmem:$0x11B20] =	vst v63  }
0xf2: {  	_ =	swait.ge [sflag:s5], $0x3E80  }
0xf3: {  	[sflag:s5] =	ssyncset.done $0x0  }
0xf4: {  	[sflag:s5] =	ssyncadd.s32 $0xFFFFC180  }
0xf5: {  	_ =	swait.ge [sflag:s9], $0x3E80  }
0xf6: {  	[sflag:s9] =	ssyncset.done $0x0  }
0xf7: {  	s12 =	simm.s32 $0x4A38;
	[sflag:s9] =	ssyncadd.s32 $0xFFFFC180  }
0xf8: {  	[spmem:s1] =	stream.indirect.scatter.add.f32 [tilespmem:s17], [sflag:$0x4], $0x10, s12, s18, $0xb8;
	[tilespmem:$0x11B20] =	vst v63  }
0xf9: {  	s13 =	simm.s32 $0x4AB8  }
0xfa: {  	[spmem:s1] =	stream.indirect.scatter.add.f32 [tilespmem:s25], [sflag:$0x4], $0x10, s13, s18, $0xb8;
	[tilespmem:$0x11B20] =	vst v63  }
0xfb: {  	s12 =	simm.s32 $0x4B38  }
0xfc: {  	[spmem:s1] =	stream.indirect.scatter.add.f32 [tilespmem:s30], [sflag:$0x4], $0x10, s12, s18, $0xb8;
	[tilespmem:$0x11B20] =	vst v63  }
0xfd: {  	s13 =	simm.s32 $0x4BB8  }
0xfe: {  	[spmem:s1] =	stream.indirect.scatter.add.f32 [tilespmem:s19], [sflag:$0x4], $0x10, s13, s18, $0xb8;
	[tilespmem:$0x11B20] =	vst v63  }
0xff: {  	s12 =	simm.s32 $0x4C38  }
0x100: {  	[spmem:s1] =	stream.indirect.scatter.add.f32 [tilespmem:s23], [sflag:$0x4], $0x10, s12, s18, $0xb8;
	[tilespmem:$0x11B20] =	vst v63  }
0x101: {  	s13 =	simm.s32 $0x4CB8  }
0x102: {  	[spmem:s1] =	stream.indirect.scatter.add.f32 [tilespmem:s10], [sflag:$0x4], $0x10, s13, s18, $0xb8;
	[tilespmem:$0x11B20] =	vst v63  }
0x103: {  	s12 =	simm.s32 $0x4D38  }
0x104: {  	[spmem:s1] =	stream.indirect.scatter.add.f32 [tilespmem:s28], [sflag:$0x4], $0x10, s12, s18, $0xb8;
	[tilespmem:$0x11B20] =	vst v63  }
0x105: {  	s13 =	simm.s32 $0x4DB8  }
0x106: {  	[spmem:s1] =	stream.indirect.scatter.add.f32 [tilespmem:s21], [sflag:$0x4], $0x10, s13, s0, $0xb8;
	[tilespmem:$0x11B20] =	vst v63  }
0x107: {  	_ =	swait.ge [sflag:s6], $0x3E80  }
0x108: {  	[sflag:s6] =	ssyncset.done $0x0  }
0x109: {  	[sflag:s6] =	ssyncadd.s32 $0xFFFFC180  }
0x10a: {  	s8 =	sadd.s32 $0xFFFFFFFF, s8;
	s7 =	sshrl.u32 @!p0 s1, $0x3;
	[bflag:$0x0] =	sbarrier.arrive $0xFFFF  }
0x10b: {  	p2 =	sne.s32 s8, $0x0;
	s13 =	simm.s32 @!p0 $0x1C05;
	s12 =	rddreg [dreg:$0x7]  }
0x10c: {  	[hbm:s12], [sflag:s13] =	dma.local @!p0 [spmem:s7], $0x5000  }
.Ltmp1:
0x10d: {  	_ = 	snop;
	(pc) =	sbr.rel @!p2 .LBB2_7-.Ltmp1, $4  }
0x10e: {  	s7 =	simm.s32 @!p0 $0x5  }
0x10f: {  	_ =	swait.ge @!p0 [sflag:s7], $0x5000  }
0x110: {  	[sflag:s7] =	ssyncset.done @!p0 $0x0  }
0x111: {  	[sflag:s7] =	ssyncadd.s32 @!p0 $0xFFFFB000  }
.LBB2_1:
.Ltmp2:
0x112: {  	(pc) =	sbr.rel @p1 .LBB2_4-.Ltmp2, $1  }
0x113: {  	_ =	sdelay $0x3  }
.Ltmp3:
0x114: {  	(pc) =	sbr.rel @p0 .LBB2_6-.Ltmp3, $1  }
0x115: {  	_ =	sdelay $0x3  }
.Ltmp4:
0x116: {  	(pc) =	sbr.rel .LBB2_5-.Ltmp4, $3  }
0x117: {  	_ =	sdelay $0x1  }
0x118: {  	s7 =	sshrl.u32 s1, $0x3;
	s13 =	rddreg [dreg:$0x5];
	s12 =	simm.s32 $0x1C05  }
0x119: {  	[spmem:s7], [sflag:s12] =	dma.local [hbm:s13], $0x5000  }
.LBB2_7:
0x11a: {  	_ =	sfence.sel $0x180000  }
0x11b: {  	[bflag:$0x0] =	sbarrier.arrive $0xFFFF  }
0x11c: {  	_ =	strace $0x9000004A  }
0x11d: {  	[bflag:$0x2] =	sbarrier.arrive $0xFFFF  }
0x11e: {  	s0 =	rddreg [dreg:$0x3]  }
0x11f: {  	s0 =	sadd.s32 @!p0 $0x100000, s0  }
0x120: {  	[sflag:s0] =	ssyncadd.tile.s32 @!p0 $0x1;
	_ =	shalt  }
.Lfunc_end2:
_tile_overlayer_lowered:
.L_overlay_start_2:
0x121: {  	(tag) =	ssettag $0x2  }
0x122: {  	s0 =	rddreg [dreg:$0x0];
	s2 =	stileid.u32  }
0x123: {  	s1 =	rddreg [dreg:$0x1];
	p0 =	sne.s32 s2, $0x0  }
0x124: {  	s3 =	rddreg [dreg:$0x2];
	[bflag:$0x3] =	sbarrier.arrive $0xFFFF;
	s2 =	simm.s32 @!p0 $0x1C05  }
0x125: {  	[timem:s3], [sflag:s2] =	dma.local @!p0 [hbm:s0], s1  }
0x126: {  	s0 =	simm.s32 @!p0 $0x5  }
0x127: {  	_ =	swait.ge @!p0 [sflag:s0], s1  }
0x128: {  	s1 =	ssub.s32 @!p0 $0x0, s1;
	[sflag:s0] =	ssyncset.done @!p0 $0x0  }
0x129: {  	[sflag:s0] =	ssyncadd.s32 @!p0 s1  }
0x12a: {  	[bflag:$0x3] =	sbarrier.arrive $0xFFFF  }
0x12b: {  	_ =	shalt  }

</sc_bundles>
